<compile_context>
chip_gen: v7x
topology: tpu7x:2x2x1
jax: 0.10.2.dev20260603
libtpu: 0.0.44.dev20260713+nightly
codegen_flags: <defaults>
</compile_context>

<pallas_src>
import functools

import jax
import jax.numpy as jnp
from jax import lax
from jax.experimental import pallas as pl
from jax.experimental.pallas import tpu as pltpu
from jax.experimental.pallas import tpu_sc as plsc

NUM_CORES = 2
NUM_SUBCORES = 16
NUM_WORKERS = NUM_CORES * NUM_SUBCORES
BATCH = 16384
ROWS_PER_WORKER = BATCH // NUM_WORKERS
CHUNK = 32
NUM_CHUNKS = ROWS_PER_WORKER // CHUNK
MUT_LEN = 50
MAP_DIM = 64
CMD_DIM = 128
MUT_DIM = 96
AI_DIM = 32
OUT_DIM = MAP_DIM + 2 * CMD_DIM + MUT_DIM + AI_DIM
IDS_PAD = CHUNK * MUT_LEN + 16
IDS_BYTES = (CHUNK + 2 * CHUNK + CHUNK + CHUNK * MUT_LEN) * 4
OUT_BYTES = CHUNK * OUT_DIM * 4


def _sc_body(map_ids_h, cmd_ids_h, mut_ids_h, ai_ids_h,
             map_t_h, cmd_t_h, mut_t_h, ai_t_h, out_h,
             mut_tab_v, mut_ids_v, mut_out_v,
             map_idx_v, map_rows_v,
             cmd_idx_v, even_v, odd_v, cmde_rows_v, cmdo_rows_v,
             ai_idx_v, ai_rows_v,
             sem_in, sem_g, sem_out):
  wid = lax.axis_index("s") * NUM_CORES + lax.axis_index("c")
  base = wid * ROWS_PER_WORKER

  def fire_ids(k, p):
    r = base + k * CHUNK
    pltpu.async_copy(map_ids_h.at[pl.ds(r, CHUNK)],
                     map_idx_v.at[pl.ds(p * CHUNK, CHUNK)], sem_in)
    pltpu.async_copy(cmd_ids_h.at[pl.ds(2 * r, 2 * CHUNK)],
                     cmd_idx_v.at[pl.ds(p * 2 * CHUNK, 2 * CHUNK)], sem_in)
    pltpu.async_copy(ai_ids_h.at[pl.ds(r, CHUNK)],
                     ai_idx_v.at[pl.ds(p * CHUNK, CHUNK)], sem_in)
    pltpu.async_copy(mut_ids_h.at[pl.ds(r * MUT_LEN, CHUNK * MUT_LEN)],
                     mut_ids_v.at[pl.ds(p * IDS_PAD, CHUNK * MUT_LEN)],
                     sem_in)

  def wait_ids():
    pltpu.make_async_copy(map_ids_h.at[pl.ds(0, CHUNK)],
                          map_idx_v.at[pl.ds(0, CHUNK)], sem_in).wait()
    pltpu.make_async_copy(cmd_ids_h.at[pl.ds(0, 2 * CHUNK)],
                          cmd_idx_v.at[pl.ds(0, 2 * CHUNK)], sem_in).wait()
    pltpu.make_async_copy(ai_ids_h.at[pl.ds(0, CHUNK)],
                          ai_idx_v.at[pl.ds(0, CHUNK)], sem_in).wait()
    pltpu.make_async_copy(mut_ids_h.at[pl.ds(0, CHUNK * MUT_LEN)],
                          mut_ids_v.at[pl.ds(0, CHUNK * MUT_LEN)],
                          sem_in).wait()

  def out_views(k, p):
    r = base + k * CHUNK
    rp = p * CHUNK
    yield (map_rows_v.at[pl.ds(rp, CHUNK)],
           out_h.at[pl.ds(r, CHUNK), pl.ds(0, MAP_DIM)])
    yield (cmde_rows_v.at[pl.ds(rp, CHUNK)],
           out_h.at[pl.ds(r, CHUNK), pl.ds(MAP_DIM, CMD_DIM)])
    yield (cmdo_rows_v.at[pl.ds(rp, CHUNK)],
           out_h.at[pl.ds(r, CHUNK), pl.ds(MAP_DIM + CMD_DIM, CMD_DIM)])
    yield (mut_out_v.at[pl.ds(rp, CHUNK)],
           out_h.at[pl.ds(r, CHUNK), pl.ds(MAP_DIM + 2 * CMD_DIM, MUT_DIM)])
    yield (ai_rows_v.at[pl.ds(rp, CHUNK)],
           out_h.at[pl.ds(r, CHUNK), pl.ds(OUT_DIM - AI_DIM, AI_DIM)])

  pltpu.sync_copy(mut_t_h, mut_tab_v)

  fire_ids(0, 0)

  @pl.loop(0, NUM_CHUNKS)
  def _(k):
    p = lax.rem(k, 2)

    wait_ids()

    @pl.when(k >= 2)
    def _():
      for src, dst in out_views(k, p):
        pltpu.make_async_copy(src, dst, sem_out).wait()

    lane = lax.iota(jnp.int32, 16)
    gidx = (lane % 8) * 2
    bc = p * 2 * CHUNK
    for t in range(CHUNK // 16):
      v0 = cmd_idx_v[pl.ds(bc + 32 * t, 16)]
      v1 = cmd_idx_v[pl.ds(bc + 32 * t + 16, 16)]
      lo_e = v0.at[gidx].get(mode="promise_in_bounds")
      hi_e = v1.at[gidx].get(mode="promise_in_bounds")
      lo_o = v0.at[gidx + 1].get(mode="promise_in_bounds")
      hi_o = v1.at[gidx + 1].get(mode="promise_in_bounds")
      even_v[pl.ds(p * CHUNK + 16 * t, 16)] = jnp.where(lane < 8, lo_e, hi_e)
      odd_v[pl.ds(p * CHUNK + 16 * t, 16)] = jnp.where(lane < 8, lo_o, hi_o)

    rp = p * CHUNK
    cp_map = pltpu.async_copy(map_t_h.at[map_idx_v.at[pl.ds(rp, CHUNK)]],
                              map_rows_v.at[pl.ds(rp, CHUNK)], sem_g)
    cp_cmde = pltpu.async_copy(cmd_t_h.at[even_v.at[pl.ds(rp, CHUNK)]],
                               cmde_rows_v.at[pl.ds(rp, CHUNK)], sem_g)
    cp_cmdo = pltpu.async_copy(cmd_t_h.at[odd_v.at[pl.ds(rp, CHUNK)]],
                               cmdo_rows_v.at[pl.ds(rp, CHUNK)], sem_g)
    cp_ai = pltpu.async_copy(ai_t_h.at[ai_idx_v.at[pl.ds(rp, CHUNK)]],
                             ai_rows_v.at[pl.ds(rp, CHUNK)], sem_g)

    fire_ids(jnp.minimum(k + 1, NUM_CHUNKS - 1), 1 - p)

    bi = p * IDS_PAD
    @pl.loop(0, CHUNK)
    def _(s):
      sbase = bi + s * MUT_LEN

      def acc16(offv, accs, nlanes):
        for l in range(nlanes):
          off = pl.multiple_of(offv[l], 32)
          accs = tuple(accs[g] + mut_tab_v[pl.ds(off + 32 * g, 32)]
                       for g in range(3))
        return accs

      def tbody(t, accs):
        offv = mut_ids_v[pl.ds(sbase + 16 * t, 16)] * MUT_DIM
        return acc16(offv, accs, 16)

      accs = lax.fori_loop(0, 3, tbody,
                           tuple(jnp.zeros((32,), jnp.bfloat16)
                                 for _ in range(3)))
      tail_offv = mut_ids_v[pl.ds(sbase + 48, 16)] * MUT_DIM
      accs = acc16(tail_offv, accs, MUT_LEN - 48)
      scale = jnp.float32(1.0 / MUT_LEN)
      for g in range(3):
        lo, hi = plsc.unpack(accs[g], format=plsc.PackFormat.INTERLEAVED)
        mut_out_v[rp + s, pl.ds(32 * g, 16)] = lo * scale
        mut_out_v[rp + s, pl.ds(32 * g + 16, 16)] = hi * scale

    cp_map.wait()
    cp_cmde.wait()
    cp_cmdo.wait()
    cp_ai.wait()

    for src, dst in out_views(k, p):
      pltpu.async_copy(src, dst, sem_out)

  wait_ids()
  for kk in (NUM_CHUNKS - 2, NUM_CHUNKS - 1):
    for src, dst in out_views(kk, lax.rem(kk, 2)):
      pltpu.make_async_copy(src, dst, sem_out).wait()


@jax.jit
def _embed(map_ids, cmd_ids_flat, mut_ids_flat, ai_ids,
           map_table, cmd_table, mut_table_perm, ai_table):
  mesh = plsc.VectorSubcoreMesh(core_axis_name="c", subcore_axis_name="s",
                                num_cores=NUM_CORES,
                                num_subcores=NUM_SUBCORES)
  run = functools.partial(
      pl.kernel,
      out_type=jax.ShapeDtypeStruct((BATCH, OUT_DIM), jnp.float32),
      mesh=mesh,
      compiler_params=pltpu.CompilerParams(use_tc_tiling_on_sc=False,
                                           needs_layout_passes=False),
      scratch_types=[
          pltpu.VMEM((1000 * MUT_DIM,), jnp.bfloat16),
          pltpu.VMEM((2 * IDS_PAD,), jnp.int32),
          pltpu.VMEM((2 * CHUNK, MUT_DIM), jnp.float32),
          pltpu.VMEM((2 * CHUNK,), jnp.int32),
          pltpu.VMEM((2 * CHUNK, MAP_DIM), jnp.float32),
          pltpu.VMEM((4 * CHUNK,), jnp.int32),
          pltpu.VMEM((2 * CHUNK,), jnp.int32),
          pltpu.VMEM((2 * CHUNK,), jnp.int32),
          pltpu.VMEM((2 * CHUNK, CMD_DIM), jnp.float32),
          pltpu.VMEM((2 * CHUNK, CMD_DIM), jnp.float32),
          pltpu.VMEM((2 * CHUNK,), jnp.int32),
          pltpu.VMEM((2 * CHUNK, AI_DIM), jnp.float32),
          pltpu.SemaphoreType.DMA,
          pltpu.SemaphoreType.DMA,
          pltpu.SemaphoreType.DMA,
      ],
  )(_sc_body)
  return run(map_ids, cmd_ids_flat, mut_ids_flat, ai_ids,
             map_table, cmd_table, mut_table_perm, ai_table)


def kernel(map_ids, commander_ids, mutation_ids, ai_ids,
           map_table, commander_table, mutation_table, ai_table):
  mut_perm = (mutation_table.reshape(-1, 3, 2, 16)
              .transpose(0, 1, 3, 2)
              .astype(jnp.bfloat16)
              .reshape(-1))
  return _embed(map_ids, commander_ids.reshape(-1), mutation_ids.reshape(-1),
                ai_ids, map_table, commander_table,
                mut_perm, ai_table)

# --- scband reference (transcript-rebuilt; emitter-appended) ---
"""Pipeline reference for scband-feature-embedding-85409719648623 (READ-ONLY COPY).

The authoritative reference and input builder live on the scoring server;
editing this copy changes nothing except your own understanding.
"""

import jax, jax.numpy as jnp
import numpy as np

NUM_MAPS = 1000
NUM_COMMANDERS = 100000
NUM_MUTATIONS = 1000
NUM_AIS = 1000
MAP_DIM = 64
COMMANDER_DIM = 128
MUTATION_DIM = 96
AI_DIM = 32
BATCH = 16384
MUT_LEN = 50


def setup_inputs(seed: int = 0) -> dict:
    key = jax.random.key(seed)
    k1, k2, k3, k4, k5, k6, k7, k8 = jax.random.split(key, 8)
    map_ids = jax.random.randint(k1, (BATCH,), 0, NUM_MAPS, dtype=jnp.int32)
    commander_ids = jax.random.randint(k2, (BATCH, 2), 0, NUM_COMMANDERS, dtype=jnp.int32)
    mutation_ids = jax.random.randint(k3, (BATCH, MUT_LEN), 0, NUM_MUTATIONS, dtype=jnp.int32)
    ai_ids = jax.random.randint(k4, (BATCH,), 0, NUM_AIS, dtype=jnp.int32)
    map_table = jax.random.normal(k5, (NUM_MAPS, MAP_DIM), dtype=jnp.float32)
    commander_table = jax.random.normal(k6, (NUM_COMMANDERS, COMMANDER_DIM), dtype=jnp.float32)
    mutation_table = jax.random.normal(k7, (NUM_MUTATIONS, MUTATION_DIM), dtype=jnp.float32)
    ai_table = jax.random.normal(k8, (NUM_AIS, AI_DIM), dtype=jnp.float32)
    return {
        "map_ids": map_ids,
        "commander_ids": commander_ids,
        "mutation_ids": mutation_ids,
        "ai_ids": ai_ids,
        "map_table": map_table,
        "commander_table": commander_table,
        "mutation_table": mutation_table,
        "ai_table": ai_table,
    }


def reference(map_ids, commander_ids, mutation_ids, ai_ids,
              map_table, commander_table, mutation_table, ai_table):
    # MapEmbedding: gather (dropout is identity in eval)
    map_embed = jnp.take(map_table, map_ids, axis=0)  # (B, 64)
    # CommanderEmbedding: gather then flatten pair
    ce = jnp.take(commander_table, commander_ids, axis=0)  # (B, 2, 128)
    commander_embed = ce.reshape(ce.shape[0], -1)  # (B, 256)
    # MutationEmbedding: gather then mean over list (mask=None)
    me = jnp.take(mutation_table, mutation_ids, axis=0)  # (B, L, 96)
    mutation_embed = me.mean(axis=1)  # (B, 96)
    # AIEmbedding: gather
    ai_embed = jnp.take(ai_table, ai_ids, axis=0)  # (B, 32)
    return jnp.concatenate([map_embed, commander_embed, mutation_embed, ai_embed], axis=1)

if __name__ == "__main__":
    import jax
    _d = setup_inputs()
    print(jax.jit(kernel)(*tuple(_d.values())))

</pallas_src>

<mosaic_0001>
#map = affine_map<(d0, d1) -> (0)>
#map1 = affine_map<(d0, d1) -> (0, 0)>
module attributes {stable_mosaic.version = 14 : i64} {
  func.func @_sc_body(%arg0: i32, %arg1: i32, %arg2: memref<16384xi32, #tpu.memory_space<hbm>>, %arg3: memref<32768xi32, #tpu.memory_space<hbm>>, %arg4: memref<819200xi32, #tpu.memory_space<hbm>>, %arg5: memref<16384xi32, #tpu.memory_space<hbm>>, %arg6: memref<1000x64xf32, #tpu.memory_space<hbm>>, %arg7: memref<100000x128xf32, #tpu.memory_space<hbm>>, %arg8: memref<96000xbf16, #tpu.memory_space<hbm>>, %arg9: memref<1000x32xf32, #tpu.memory_space<hbm>>, %arg10: memref<16384x448xf32, #tpu.memory_space<hbm>>, %arg11: memref<96000xbf16, #tpu.memory_space<vmem>>, %arg12: memref<3232xi32, #tpu.memory_space<vmem>>, %arg13: memref<64x96xf32, #tpu.memory_space<vmem>>, %arg14: memref<64xi32, #tpu.memory_space<vmem>>, %arg15: memref<64x64xf32, #tpu.memory_space<vmem>>, %arg16: memref<128xi32, #tpu.memory_space<vmem>>, %arg17: memref<64xi32, #tpu.memory_space<vmem>>, %arg18: memref<64xi32, #tpu.memory_space<vmem>>, %arg19: memref<64x128xf32, #tpu.memory_space<vmem>>, %arg20: memref<64x128xf32, #tpu.memory_space<vmem>>, %arg21: memref<64xi32, #tpu.memory_space<vmem>>, %arg22: memref<64x32xf32, #tpu.memory_space<vmem>>, %arg23: memref<!tpu.dma_semaphore, #tpu.memory_space<semaphore_mem>>, %arg24: memref<!tpu.dma_semaphore, #tpu.memory_space<semaphore_mem>>, %arg25: memref<!tpu.dma_semaphore, #tpu.memory_space<semaphore_mem>>) attributes {dimension_semantics = [#tpu.dimension_semantics<core_parallel>, #tpu.dimension_semantics<subcore_parallel>], iteration_bounds = array<i64: 2, 16>, scalar_prefetch = 0 : i64, scratch_operands = 15 : i64, tpu.core_type = #tpu.core_type<sc_vector_subcore>, window_params = [{transform_indices = #map}, {transform_indices = #map}, {transform_indices = #map}, {transform_indices = #map}, {transform_indices = #map1}, {transform_indices = #map1}, {transform_indices = #map}, {transform_indices = #map1}, {transform_indices = #map1}]} {
    %mul3A = arith.constant 2 : i32
    %mul3A_0 = arith.muli %arg1, %mul3A : i32
    %add3A = arith.addi %mul3A_0, %arg0 : i32
    %mul3A_1 = arith.constant 512 : i32
    %mul3A_2 = arith.muli %add3A, %mul3A_1 : i32
    "tpu.region"() ({
      %run_scoped3A = tpu.sem_alloc : memref<!tpu.dma_semaphore, #tpu.memory_space<semaphore_mem>>
      tpu.enqueue_dma source(%arg8 : memref<96000xbf16, #tpu.memory_space<hbm>>) target(%arg11 : memref<96000xbf16, #tpu.memory_space<vmem>>) target_semaphore(%run_scoped3A : memref<!tpu.dma_semaphore, #tpu.memory_space<semaphore_mem>>)
      tpu.wait_dma2 semaphore(%run_scoped3A : memref<!tpu.dma_semaphore, #tpu.memory_space<semaphore_mem>>) src(%arg8 : memref<96000xbf16, #tpu.memory_space<hbm>>) dst(%arg11 : memref<96000xbf16, #tpu.memory_space<vmem>>)
      tpu.yield
    }) : () -> ()
    %add3A_3 = arith.constant 0 : i32
    %add3A_4 = arith.addi %mul3A_2, %add3A_3 : i32
    %dma_start3A = arith.constant 0 : i32
    %dma_start3A_5 = tpu.memref_slice %arg14[%dma_start3A] : memref<64xi32, #tpu.memory_space<vmem>> -> memref<32xi32, #tpu.memory_space<vmem>>
    %dma_start3A_6 = tpu.memref_slice %arg2[%add3A_4] : memref<16384xi32, #tpu.memory_space<hbm>> -> memref<32xi32, #tpu.memory_space<hbm>>
    %dma_start3A_7 = arith.constant 0 : i32
    %dma_start3A_8 = tpu.memref_slice %arg14[%dma_start3A_7] : memref<64xi32, #tpu.memory_space<vmem>> -> memref<32xi32, #tpu.memory_space<vmem>>
    %dma_start3A_9 = tpu.memref_slice %arg2[%add3A_4] : memref<16384xi32, #tpu.memory_space<hbm>> -> memref<32xi32, #tpu.memory_space<hbm>>
    tpu.enqueue_dma source(%dma_start3A_9 : memref<32xi32, #tpu.memory_space<hbm>>) target(%dma_start3A_8 : memref<32xi32, #tpu.memory_space<vmem>>) target_semaphore(%arg23 : memref<!tpu.dma_semaphore, #tpu.memory_space<semaphore_mem>>)
    %mul3A_10 = arith.constant 2 : i32
    %mul3A_11 = arith.muli %mul3A_10, %add3A_4 : i32
    %dma_start3A_12 = arith.constant 0 : i32
    %dma_start3A_13 = tpu.memref_slice %arg16[%dma_start3A_12] : memref<128xi32, #tpu.memory_space<vmem>> -> memref<64xi32, #tpu.memory_space<vmem>>
    %dma_start3A_14 = tpu.memref_slice %arg3[%mul3A_11] : memref<32768xi32, #tpu.memory_space<hbm>> -> memref<64xi32, #tpu.memory_space<hbm>>
    %dma_start3A_15 = arith.constant 0 : i32
    %dma_start3A_16 = tpu.memref_slice %arg16[%dma_start3A_15] : memref<128xi32, #tpu.memory_space<vmem>> -> memref<64xi32, #tpu.memory_space<vmem>>
    %dma_start3A_17 = tpu.memref_slice %arg3[%mul3A_11] : memref<32768xi32, #tpu.memory_space<hbm>> -> memref<64xi32, #tpu.memory_space<hbm>>
    tpu.enqueue_dma source(%dma_start3A_17 : memref<64xi32, #tpu.memory_space<hbm>>) target(%dma_start3A_16 : memref<64xi32, #tpu.memory_space<vmem>>) target_semaphore(%arg23 : memref<!tpu.dma_semaphore, #tpu.memory_space<semaphore_mem>>)
    %dma_start3A_18 = arith.constant 0 : i32
    %dma_start3A_19 = tpu.memref_slice %arg21[%dma_start3A_18] : memref<64xi32, #tpu.memory_space<vmem>> -> memref<32xi32, #tpu.memory_space<vmem>>
    %dma_start3A_20 = tpu.memref_slice %arg5[%add3A_4] : memref<16384xi32, #tpu.memory_space<hbm>> -> memref<32xi32, #tpu.memory_space<hbm>>
    %dma_start3A_21 = arith.constant 0 : i32
    %dma_start3A_22 = tpu.memref_slice %arg21[%dma_start3A_21] : memref<64xi32, #tpu.memory_space<vmem>> -> memref<32xi32, #tpu.memory_space<vmem>>
    %dma_start3A_23 = tpu.memref_slice %arg5[%add3A_4] : memref<16384xi32, #tpu.memory_space<hbm>> -> memref<32xi32, #tpu.memory_space<hbm>>
    tpu.enqueue_dma source(%dma_start3A_23 : memref<32xi32, #tpu.memory_space<hbm>>) target(%dma_start3A_22 : memref<32xi32, #tpu.memory_space<vmem>>) target_semaphore(%arg23 : memref<!tpu.dma_semaphore, #tpu.memory_space<semaphore_mem>>)
    %mul3A_24 = arith.constant 50 : i32
    %mul3A_25 = arith.muli %add3A_4, %mul3A_24 : i32
    %dma_start3A_26 = arith.constant 0 : i32
    %dma_start3A_27 = tpu.memref_slice %arg12[%dma_start3A_26] : memref<3232xi32, #tpu.memory_space<vmem>> -> memref<1600xi32, #tpu.memory_space<vmem>>
    %dma_start3A_28 = tpu.memref_slice %arg4[%mul3A_25] : memref<819200xi32, #tpu.memory_space<hbm>> -> memref<1600xi32, #tpu.memory_space<hbm>>
    %dma_start3A_29 = arith.constant 0 : i32
    %dma_start3A_30 = tpu.memref_slice %arg12[%dma_start3A_29] : memref<3232xi32, #tpu.memory_space<vmem>> -> memref<1600xi32, #tpu.memory_space<vmem>>
    %dma_start3A_31 = tpu.memref_slice %arg4[%mul3A_25] : memref<819200xi32, #tpu.memory_space<hbm>> -> memref<1600xi32, #tpu.memory_space<hbm>>
    tpu.enqueue_dma source(%dma_start3A_31 : memref<1600xi32, #tpu.memory_space<hbm>>) target(%dma_start3A_30 : memref<1600xi32, #tpu.memory_space<vmem>>) target_semaphore(%arg23 : memref<!tpu.dma_semaphore, #tpu.memory_space<semaphore_mem>>)
    %scan3A = arith.constant 0 : i32
    %scan3A_32 = arith.constant 16 : i32
    %scan3A_33 = arith.addi %scan3A, %scan3A_32 : i32
    %scan3A_34 = arith.constant 1 : i32
    scf.for %scan3A_160 = %scan3A to %scan3A_33 step %scan3A_34  : i32 {
      %mul3A_161 = arith.constant 1 : i32
      %mul3A_162 = arith.muli %scan3A_160, %mul3A_161 : i32
      %add3A_163 = arith.constant 0 : i32
      %add3A_164 = arith.addi %add3A_163, %mul3A_162 : i32
      %rem3A_165 = arith.constant 2 : i32
      %rem3A_166 = arith.remsi %add3A_164, %rem3A_165 : i32
      %dma_wait3A_167 = arith.constant 0 : i32
      %dma_wait3A_168 = tpu.memref_slice %arg14[%dma_wait3A_167] : memref<64xi32, #tpu.memory_space<vmem>> -> memref<32xi32, #tpu.memory_space<vmem>>
      %dma_wait3A_169 = arith.constant 0 : i32
      %dma_wait3A_170 = tpu.memref_slice %arg2[%dma_wait3A_169] : memref<16384xi32, #tpu.memory_space<hbm>> -> memref<32xi32, #tpu.memory_space<hbm>>
      %dma_wait3A_171 = arith.constant 0 : i32
      %dma_wait3A_172 = tpu.memref_slice %arg14[%dma_wait3A_171] : memref<64xi32, #tpu.memory_space<vmem>> -> memref<32xi32, #tpu.memory_space<vmem>>
      %dma_wait3A_173 = arith.constant 0 : i32
      %dma_wait3A_174 = tpu.memref_slice %arg2[%dma_wait3A_173] : memref<16384xi32, #tpu.memory_space<hbm>> -> memref<32xi32, #tpu.memory_space<hbm>>
      tpu.wait_dma2 semaphore(%arg23 : memref<!tpu.dma_semaphore, #tpu.memory_space<semaphore_mem>>) src(%dma_wait3A_174 : memref<32xi32, #tpu.memory_space<hbm>>) dst(%dma_wait3A_172 : memref<32xi32, #tpu.memory_space<vmem>>)
      %dma_wait3A_175 = arith.constant 0 : i32
      %dma_wait3A_176 = tpu.memref_slice %arg16[%dma_wait3A_175] : memref<128xi32, #tpu.memory_space<vmem>> -> memref<64xi32, #tpu.memory_space<vmem>>
      %dma_wait3A_177 = arith.constant 0 : i32
      %dma_wait3A_178 = tpu.memref_slice %arg3[%dma_wait3A_177] : memref<32768xi32, #tpu.memory_space<hbm>> -> memref<64xi32, #tpu.memory_space<hbm>>
      %dma_wait3A_179 = arith.constant 0 : i32
      %dma_wait3A_180 = tpu.memref_slice %arg16[%dma_wait3A_179] : memref<128xi32, #tpu.memory_space<vmem>> -> memref<64xi32, #tpu.memory_space<vmem>>
      %dma_wait3A_181 = arith.constant 0 : i32
      %dma_wait3A_182 = tpu.memref_slice %arg3[%dma_wait3A_181] : memref<32768xi32, #tpu.memory_space<hbm>> -> memref<64xi32, #tpu.memory_space<hbm>>
      tpu.wait_dma2 semaphore(%arg23 : memref<!tpu.dma_semaphore, #tpu.memory_space<semaphore_mem>>) src(%dma_wait3A_182 : memref<64xi32, #tpu.memory_space<hbm>>) dst(%dma_wait3A_180 : memref<64xi32, #tpu.memory_space<vmem>>)
      %dma_wait3A_183 = arith.constant 0 : i32
      %dma_wait3A_184 = tpu.memref_slice %arg21[%dma_wait3A_183] : memref<64xi32, #tpu.memory_space<vmem>> -> memref<32xi32, #tpu.memory_space<vmem>>
      %dma_wait3A_185 = arith.constant 0 : i32
      %dma_wait3A_186 = tpu.memref_slice %arg5[%dma_wait3A_185] : memref<16384xi32, #tpu.memory_space<hbm>> -> memref<32xi32, #tpu.memory_space<hbm>>
      %dma_wait3A_187 = arith.constant 0 : i32
      %dma_wait3A_188 = tpu.memref_slice %arg21[%dma_wait3A_187] : memref<64xi32, #tpu.memory_space<vmem>> -> memref<32xi32, #tpu.memory_space<vmem>>
      %dma_wait3A_189 = arith.constant 0 : i32
      %dma_wait3A_190 = tpu.memref_slice %arg5[%dma_wait3A_189] : memref<16384xi32, #tpu.memory_space<hbm>> -> memref<32xi32, #tpu.memory_space<hbm>>
      tpu.wait_dma2 semaphore(%arg23 : memref<!tpu.dma_semaphore, #tpu.memory_space<semaphore_mem>>) src(%dma_wait3A_190 : memref<32xi32, #tpu.memory_space<hbm>>) dst(%dma_wait3A_188 : memref<32xi32, #tpu.memory_space<vmem>>)
      %dma_wait3A_191 = arith.constant 0 : i32
      %dma_wait3A_192 = tpu.memref_slice %arg12[%dma_wait3A_191] : memref<3232xi32, #tpu.memory_space<vmem>> -> memref<1600xi32, #tpu.memory_space<vmem>>
      %dma_wait3A_193 = arith.constant 0 : i32
      %dma_wait3A_194 = tpu.memref_slice %arg4[%dma_wait3A_193] : memref<819200xi32, #tpu.memory_space<hbm>> -> memref<1600xi32, #tpu.memory_space<hbm>>
      %dma_wait3A_195 = arith.constant 0 : i32
      %dma_wait3A_196 = tpu.memref_slice %arg12[%dma_wait3A_195] : memref<3232xi32, #tpu.memory_space<vmem>> -> memref<1600xi32, #tpu.memory_space<vmem>>
      %dma_wait3A_197 = arith.constant 0 : i32
      %dma_wait3A_198 = tpu.memref_slice %arg4[%dma_wait3A_197] : memref<819200xi32, #tpu.memory_space<hbm>> -> memref<1600xi32, #tpu.memory_space<hbm>>
      tpu.wait_dma2 semaphore(%arg23 : memref<!tpu.dma_semaphore, #tpu.memory_space<semaphore_mem>>) src(%dma_wait3A_198 : memref<1600xi32, #tpu.memory_space<hbm>>) dst(%dma_wait3A_196 : memref<1600xi32, #tpu.memory_space<vmem>>)
      %ge3A = arith.constant 2 : i32
      %ge3A_199 = arith.cmpi sge, %add3A_164, %ge3A : i32
      %convert_element_type3A = arith.extui %ge3A_199 : i1 to i32
      %cond3A = arith.constant 0 : i32
      %cond3A_200 = arith.cmpi ne, %convert_element_type3A, %cond3A : i32
      scf.if %cond3A_200 {
        %mul3A_511 = arith.constant 32 : i32
        %mul3A_512 = arith.muli %add3A_164, %mul3A_511 : i32
        %add3A_513 = arith.addi %mul3A_2, %mul3A_512 : i32
        %mul3A_514 = arith.constant 32 : i32
        %mul3A_515 = arith.muli %rem3A_166, %mul3A_514 : i32
        %dma_wait3A_516 = arith.constant 0 : i32
        %dma_wait3A_517 = tpu.memref_slice %arg15[%mul3A_515, %dma_wait3A_516] : memref<64x64xf32, #tpu.memory_space<vmem>> -> memref<32x64xf32, #tpu.memory_space<vmem>>
        %dma_wait3A_518 = arith.constant 0 : i32
        %dma_wait3A_519 = tpu.memref_slice %arg10[%add3A_513, %dma_wait3A_518] : memref<16384x448xf32, #tpu.memory_space<hbm>> -> memref<32x64xf32, #tpu.memory_space<hbm>>
        %dma_wait3A_520 = arith.constant 0 : i32
        %dma_wait3A_521 = tpu.memref_slice %arg10[%add3A_513, %dma_wait3A_520] : memref<16384x448xf32, #tpu.memory_space<hbm>> -> memref<32x64xf32, #tpu.memory_space<hbm>>
        %dma_wait3A_522 = arith.constant 0 : i32
        %dma_wait3A_523 = tpu.memref_slice %arg15[%mul3A_515, %dma_wait3A_522] : memref<64x64xf32, #tpu.memory_space<vmem>> -> memref<32x64xf32, #tpu.memory_space<vmem>>
        tpu.wait_dma2 semaphore(%arg25 : memref<!tpu.dma_semaphore, #tpu.memory_space<semaphore_mem>>) src(%dma_wait3A_523 : memref<32x64xf32, #tpu.memory_space<vmem>>) dst(%dma_wait3A_521 : memref<32x64xf32, #tpu.memory_space<hbm>>)
        %dma_wait3A_524 = arith.constant 0 : i32
        %dma_wait3A_525 = tpu.memref_slice %arg19[%mul3A_515, %dma_wait3A_524] : memref<64x128xf32, #tpu.memory_space<vmem>> -> memref<32x128xf32, #tpu.memory_space<vmem>>
        %dma_wait3A_526 = arith.constant 64 : i32
        %dma_wait3A_527 = tpu.memref_slice %arg10[%add3A_513, %dma_wait3A_526] : memref<16384x448xf32, #tpu.memory_space<hbm>> -> memref<32x128xf32, #tpu.memory_space<hbm>>
        %dma_wait3A_528 = arith.constant 64 : i32
        %dma_wait3A_529 = tpu.memref_slice %arg10[%add3A_513, %dma_wait3A_528] : memref<16384x448xf32, #tpu.memory_space<hbm>> -> memref<32x128xf32, #tpu.memory_space<hbm>>
        %dma_wait3A_530 = arith.constant 0 : i32
        %dma_wait3A_531 = tpu.memref_slice %arg19[%mul3A_515, %dma_wait3A_530] : memref<64x128xf32, #tpu.memory_space<vmem>> -> memref<32x128xf32, #tpu.memory_space<vmem>>
        tpu.wait_dma2 semaphore(%arg25 : memref<!tpu.dma_semaphore, #tpu.memory_space<semaphore_mem>>) src(%dma_wait3A_531 : memref<32x128xf32, #tpu.memory_space<vmem>>) dst(%dma_wait3A_529 : memref<32x128xf32, #tpu.memory_space<hbm>>)
        %dma_wait3A_532 = arith.constant 0 : i32
        %dma_wait3A_533 = tpu.memref_slice %arg20[%mul3A_515, %dma_wait3A_532] : memref<64x128xf32, #tpu.memory_space<vmem>> -> memref<32x128xf32, #tpu.memory_space<vmem>>
        %dma_wait3A_534 = arith.constant 192 : i32
        %dma_wait3A_535 = tpu.memref_slice %arg10[%add3A_513, %dma_wait3A_534] : memref<16384x448xf32, #tpu.memory_space<hbm>> -> memref<32x128xf32, #tpu.memory_space<hbm>>
        %dma_wait3A_536 = arith.constant 192 : i32
        %dma_wait3A_537 = tpu.memref_slice %arg10[%add3A_513, %dma_wait3A_536] : memref<16384x448xf32, #tpu.memory_space<hbm>> -> memref<32x128xf32, #tpu.memory_space<hbm>>
        %dma_wait3A_538 = arith.constant 0 : i32
        %dma_wait3A_539 = tpu.memref_slice %arg20[%mul3A_515, %dma_wait3A_538] : memref<64x128xf32, #tpu.memory_space<vmem>> -> memref<32x128xf32, #tpu.memory_space<vmem>>
        tpu.wait_dma2 semaphore(%arg25 : memref<!tpu.dma_semaphore, #tpu.memory_space<semaphore_mem>>) src(%dma_wait3A_539 : memref<32x128xf32, #tpu.memory_space<vmem>>) dst(%dma_wait3A_537 : memref<32x128xf32, #tpu.memory_space<hbm>>)
        %dma_wait3A_540 = arith.constant 0 : i32
        %dma_wait3A_541 = tpu.memref_slice %arg13[%mul3A_515, %dma_wait3A_540] : memref<64x96xf32, #tpu.memory_space<vmem>> -> memref<32x96xf32, #tpu.memory_space<vmem>>
        %dma_wait3A_542 = arith.constant 320 : i32
        %dma_wait3A_543 = tpu.memref_slice %arg10[%add3A_513, %dma_wait3A_542] : memref<16384x448xf32, #tpu.memory_space<hbm>> -> memref<32x96xf32, #tpu.memory_space<hbm>>
        %dma_wait3A_544 = arith.constant 320 : i32
        %dma_wait3A_545 = tpu.memref_slice %arg10[%add3A_513, %dma_wait3A_544] : memref<16384x448xf32, #tpu.memory_space<hbm>> -> memref<32x96xf32, #tpu.memory_space<hbm>>
        %dma_wait3A_546 = arith.constant 0 : i32
        %dma_wait3A_547 = tpu.memref_slice %arg13[%mul3A_515, %dma_wait3A_546] : memref<64x96xf32, #tpu.memory_space<vmem>> -> memref<32x96xf32, #tpu.memory_space<vmem>>
        tpu.wait_dma2 semaphore(%arg25 : memref<!tpu.dma_semaphore, #tpu.memory_space<semaphore_mem>>) src(%dma_wait3A_547 : memref<32x96xf32, #tpu.memory_space<vmem>>) dst(%dma_wait3A_545 : memref<32x96xf32, #tpu.memory_space<hbm>>)
        %dma_wait3A_548 = arith.constant 0 : i32
        %dma_wait3A_549 = tpu.memref_slice %arg22[%mul3A_515, %dma_wait3A_548] : memref<64x32xf32, #tpu.memory_space<vmem>> -> memref<32x32xf32, #tpu.memory_space<vmem>>
        %dma_wait3A_550 = arith.constant 416 : i32
        %dma_wait3A_551 = tpu.memref_slice %arg10[%add3A_513, %dma_wait3A_550] : memref<16384x448xf32, #tpu.memory_space<hbm>> -> memref<32x32xf32, #tpu.memory_space<hbm>>
        %dma_wait3A_552 = arith.constant 416 : i32
        %dma_wait3A_553 = tpu.memref_slice %arg10[%add3A_513, %dma_wait3A_552] : memref<16384x448xf32, #tpu.memory_space<hbm>> -> memref<32x32xf32, #tpu.memory_space<hbm>>
        %dma_wait3A_554 = arith.constant 0 : i32
        %dma_wait3A_555 = tpu.memref_slice %arg22[%mul3A_515, %dma_wait3A_554] : memref<64x32xf32, #tpu.memory_space<vmem>> -> memref<32x32xf32, #tpu.memory_space<vmem>>
        tpu.wait_dma2 semaphore(%arg25 : memref<!tpu.dma_semaphore, #tpu.memory_space<semaphore_mem>>) src(%dma_wait3A_555 : memref<32x32xf32, #tpu.memory_space<vmem>>) dst(%dma_wait3A_553 : memref<32x32xf32, #tpu.memory_space<hbm>>)
      } else {
      }
      %iota3A = tpu.iota {dimensions = array<i32: 0>} : vector<16xi32>
      %jit3A = arith.constant 8 : i32
      %eq3A = arith.constant 0 : i32
      %eq3A_201 = arith.cmpi eq, %jit3A, %eq3A : i32
      %jit3A_202 = arith.constant 1 : i32
      %select_n3A = arith.select %eq3A_201, %jit3A_202, %jit3A : i32
      %rem3A_203 = vector.broadcast %select_n3A : i32 to vector<16xi32>
      %rem3A_204 = arith.remsi %iota3A, %rem3A_203 : vector<16xi32>
      %ne3A = arith.constant 0 : i32
      %ne3A_205 = vector.broadcast %ne3A : i32 to vector<16xi32>
      %ne3A_206 = arith.cmpi ne, %rem3A_204, %ne3A_205 : vector<16xi32>
      %lt3A = arith.constant 0 : i32
      %lt3A_207 = vector.broadcast %lt3A : i32 to vector<16xi32>
      %lt3A_208 = arith.cmpi slt, %rem3A_204, %lt3A_207 : vector<16xi32>
      %lt3A_209 = arith.constant 0 : i32
      %lt3A_210 = arith.cmpi slt, %select_n3A, %lt3A_209 : i32
      %ne3A_211 = vector.broadcast %lt3A_210 : i1 to vector<16xi1>
      %ne3A_212 = vector.broadcast %ne3A_211 : vector<16xi1> to vector<16xi1>
      %ne3A_213 = arith.xori %lt3A_208, %ne3A_212 : vector<16xi1>
      %and3A = arith.andi %ne3A_213, %ne3A_206 : vector<16xi1>
      %add3A_214 = vector.broadcast %select_n3A : i32 to vector<16xi32>
      %add3A_215 = arith.addi %rem3A_204, %add3A_214 : vector<16xi32>
      %select_n3A_216 = arith.select %and3A, %add3A_215, %rem3A_204 : vector<16xi1>, vector<16xi32>
      %mul3A_217 = arith.constant 2 : i32
      %mul3A_218 = vector.broadcast %mul3A_217 : i32 to vector<16xi32>
      %mul3A_219 = arith.muli %select_n3A_216, %mul3A_218 : vector<16xi32>
      %mul3A_220 = arith.constant 2 : i32
      %mul3A_221 = arith.muli %rem3A_166, %mul3A_220 : i32
      %mul3A_222 = arith.constant 32 : i32
      %mul3A_223 = arith.muli %mul3A_221, %mul3A_222 : i32
      %add3A_224 = arith.constant 0 : i32
      %add3A_225 = arith.addi %mul3A_223, %add3A_224 : i32
      %get3A = arith.index_cast %add3A_225 : i32 to index
      %get3A_226 = tpu.vector_load %arg16[%get3A] {strides = array<i32>} : memref<128xi32, #tpu.memory_space<vmem>>, vector<16xi32>,
      %add3A_227 = arith.constant 0 : i32
      %add3A_228 = arith.addi %mul3A_223, %add3A_227 : i32
      %add3A_229 = arith.constant 16 : i32
      %add3A_230 = arith.addi %add3A_228, %add3A_229 : i32
      %get3A_231 = arith.index_cast %add3A_230 : i32 to index
      %get3A_232 = tpu.vector_load %arg16[%get3A_231] {strides = array<i32>} : memref<128xi32, #tpu.memory_space<vmem>>, vector<16xi32>,
      %lt3A_233 = arith.constant 0 : i32
      %lt3A_234 = vector.broadcast %lt3A_233 : i32 to vector<16xi32>
      %lt3A_235 = arith.cmpi slt, %mul3A_219, %lt3A_234 : vector<16xi32>
      %add3A_236 = arith.constant 16 : i32
      %add3A_237 = vector.broadcast %add3A_236 : i32 to vector<16xi32>
      %add3A_238 = arith.addi %mul3A_219, %add3A_237 : vector<16xi32>
      %select_n3A_239 = arith.select %lt3A_235, %add3A_238, %mul3A_219 : vector<16xi1>, vector<16xi32>
      %broadcast_in_dim3A = vector.shape_cast %select_n3A_239 : vector<16xi32> to vector<16x1xi32>
      %gather3A = vector.shape_cast %broadcast_in_dim3A : vector<16x1xi32> to vector<16xi32>
      %gather3A_240 = tpu.dynamic_gather %get3A_226[%gather3A] in [0] : vector<16xi32>, vector<16xi32> -> vector<16xi32>
      %lt3A_241 = arith.constant 0 : i32
      %lt3A_242 = vector.broadcast %lt3A_241 : i32 to vector<16xi32>
      %lt3A_243 = arith.cmpi slt, %mul3A_219, %lt3A_242 : vector<16xi32>
      %add3A_244 = arith.constant 16 : i32
      %add3A_245 = vector.broadcast %add3A_244 : i32 to vector<16xi32>
      %add3A_246 = arith.addi %mul3A_219, %add3A_245 : vector<16xi32>
      %select_n3A_247 = arith.select %lt3A_243, %add3A_246, %mul3A_219 : vector<16xi1>, vector<16xi32>
      %broadcast_in_dim3A_248 = vector.shape_cast %select_n3A_247 : vector<16xi32> to vector<16x1xi32>
      %gather3A_249 = vector.shape_cast %broadcast_in_dim3A_248 : vector<16x1xi32> to vector<16xi32>
      %gather3A_250 = tpu.dynamic_gather %get3A_232[%gather3A_249] in [0] : vector<16xi32>, vector<16xi32> -> vector<16xi32>
      %add3A_251 = arith.constant 1 : i32
      %add3A_252 = vector.broadcast %add3A_251 : i32 to vector<16xi32>
      %add3A_253 = arith.addi %mul3A_219, %add3A_252 : vector<16xi32>
      %lt3A_254 = arith.constant 0 : i32
      %lt3A_255 = vector.broadcast %lt3A_254 : i32 to vector<16xi32>
      %lt3A_256 = arith.cmpi slt, %add3A_253, %lt3A_255 : vector<16xi32>
      %add3A_257 = arith.constant 16 : i32
      %add3A_258 = vector.broadcast %add3A_257 : i32 to vector<16xi32>
      %add3A_259 = arith.addi %add3A_253, %add3A_258 : vector<16xi32>
      %select_n3A_260 = arith.select %lt3A_256, %add3A_259, %add3A_253 : vector<16xi1>, vector<16xi32>
      %broadcast_in_dim3A_261 = vector.shape_cast %select_n3A_260 : vector<16xi32> to vector<16x1xi32>
      %gather3A_262 = vector.shape_cast %broadcast_in_dim3A_261 : vector<16x1xi32> to vector<16xi32>
      %gather3A_263 = tpu.dynamic_gather %get3A_226[%gather3A_262] in [0] : vector<16xi32>, vector<16xi32> -> vector<16xi32>
      %add3A_264 = arith.constant 1 : i32
      %add3A_265 = vector.broadcast %add3A_264 : i32 to vector<16xi32>
      %add3A_266 = arith.addi %mul3A_219, %add3A_265 : vector<16xi32>
      %lt3A_267 = arith.constant 0 : i32
      %lt3A_268 = vector.broadcast %lt3A_267 : i32 to vector<16xi32>
      %lt3A_269 = arith.cmpi slt, %add3A_266, %lt3A_268 : vector<16xi32>
      %add3A_270 = arith.constant 16 : i32
      %add3A_271 = vector.broadcast %add3A_270 : i32 to vector<16xi32>
      %add3A_272 = arith.addi %add3A_266, %add3A_271 : vector<16xi32>
      %select_n3A_273 = arith.select %lt3A_269, %add3A_272, %add3A_266 : vector<16xi1>, vector<16xi32>
      %broadcast_in_dim3A_274 = vector.shape_cast %select_n3A_273 : vector<16xi32> to vector<16x1xi32>
      %gather3A_275 = vector.shape_cast %broadcast_in_dim3A_274 : vector<16x1xi32> to vector<16xi32>
      %gather3A_276 = tpu.dynamic_gather %get3A_232[%gather3A_275] in [0] : vector<16xi32>, vector<16xi32> -> vector<16xi32>
      %lt3A_277 = arith.constant 8 : i32
      %lt3A_278 = vector.broadcast %lt3A_277 : i32 to vector<16xi32>
      %lt3A_279 = arith.cmpi slt, %iota3A, %lt3A_278 : vector<16xi32>
      %select_n3A_280 = arith.select %lt3A_279, %gather3A_240, %gather3A_250 : vector<16xi1>, vector<16xi32>
      %mul3A_281 = arith.constant 32 : i32
      %mul3A_282 = arith.muli %rem3A_166, %mul3A_281 : i32
      %add3A_283 = arith.constant 0 : i32
      %add3A_284 = arith.addi %mul3A_282, %add3A_283 : i32
      %swap3A = arith.index_cast %add3A_284 : i32 to index
      %swap3A_285 = tpu.vector_load %arg17[%swap3A] {strides = array<i32>} : memref<64xi32, #tpu.memory_space<vmem>>, vector<16xi32>,
      tpu.vector_store %arg17[%swap3A], %select_n3A_280 {strides = array<i32>} : memref<64xi32, #tpu.memory_space<vmem>>, vector<16xi32>,
      %lt3A_286 = arith.constant 8 : i32
      %lt3A_287 = vector.broadcast %lt3A_286 : i32 to vector<16xi32>
      %lt3A_288 = arith.cmpi slt, %iota3A, %lt3A_287 : vector<16xi32>
      %select_n3A_289 = arith.select %lt3A_288, %gather3A_263, %gather3A_276 : vector<16xi1>, vector<16xi32>
      %mul3A_290 = arith.constant 32 : i32
      %mul3A_291 = arith.muli %rem3A_166, %mul3A_290 : i32
      %add3A_292 = arith.constant 0 : i32
      %add3A_293 = arith.addi %mul3A_291, %add3A_292 : i32
      %swap3A_294 = arith.index_cast %add3A_293 : i32 to index
      %swap3A_295 = tpu.vector_load %arg18[%swap3A_294] {strides = array<i32>} : memref<64xi32, #tpu.memory_space<vmem>>, vector<16xi32>,
      tpu.vector_store %arg18[%swap3A_294], %select_n3A_289 {strides = array<i32>} : memref<64xi32, #tpu.memory_space<vmem>>, vector<16xi32>,
      %add3A_296 = arith.constant 32 : i32
      %add3A_297 = arith.addi %mul3A_223, %add3A_296 : i32
      %get3A_298 = arith.index_cast %add3A_297 : i32 to index
      %get3A_299 = tpu.vector_load %arg16[%get3A_298] {strides = array<i32>} : memref<128xi32, #tpu.memory_space<vmem>>, vector<16xi32>,
      %add3A_300 = arith.constant 32 : i32
      %add3A_301 = arith.addi %mul3A_223, %add3A_300 : i32
      %add3A_302 = arith.constant 16 : i32
      %add3A_303 = arith.addi %add3A_301, %add3A_302 : i32
      %get3A_304 = arith.index_cast %add3A_303 : i32 to index
      %get3A_305 = tpu.vector_load %arg16[%get3A_304] {strides = array<i32>} : memref<128xi32, #tpu.memory_space<vmem>>, vector<16xi32>,
      %lt3A_306 = arith.constant 0 : i32
      %lt3A_307 = vector.broadcast %lt3A_306 : i32 to vector<16xi32>
      %lt3A_308 = arith.cmpi slt, %mul3A_219, %lt3A_307 : vector<16xi32>
      %add3A_309 = arith.constant 16 : i32
      %add3A_310 = vector.broadcast %add3A_309 : i32 to vector<16xi32>
      %add3A_311 = arith.addi %mul3A_219, %add3A_310 : vector<16xi32>
      %select_n3A_312 = arith.select %lt3A_308, %add3A_311, %mul3A_219 : vector<16xi1>, vector<16xi32>
      %broadcast_in_dim3A_313 = vector.shape_cast %select_n3A_312 : vector<16xi32> to vector<16x1xi32>
      %gather3A_314 = vector.shape_cast %broadcast_in_dim3A_313 : vector<16x1xi32> to vector<16xi32>
      %gather3A_315 = tpu.dynamic_gather %get3A_299[%gather3A_314] in [0] : vector<16xi32>, vector<16xi32> -> vector<16xi32>
      %lt3A_316 = arith.constant 0 : i32
      %lt3A_317 = vector.broadcast %lt3A_316 : i32 to vector<16xi32>
      %lt3A_318 = arith.cmpi slt, %mul3A_219, %lt3A_317 : vector<16xi32>
      %add3A_319 = arith.constant 16 : i32
      %add3A_320 = vector.broadcast %add3A_319 : i32 to vector<16xi32>
      %add3A_321 = arith.addi %mul3A_219, %add3A_320 : vector<16xi32>
      %select_n3A_322 = arith.select %lt3A_318, %add3A_321, %mul3A_219 : vector<16xi1>, vector<16xi32>
      %broadcast_in_dim3A_323 = vector.shape_cast %select_n3A_322 : vector<16xi32> to vector<16x1xi32>
      %gather3A_324 = vector.shape_cast %broadcast_in_dim3A_323 : vector<16x1xi32> to vector<16xi32>
      %gather3A_325 = tpu.dynamic_gather %get3A_305[%gather3A_324] in [0] : vector<16xi32>, vector<16xi32> -> vector<16xi32>
      %add3A_326 = arith.constant 1 : i32
      %add3A_327 = vector.broadcast %add3A_326 : i32 to vector<16xi32>
      %add3A_328 = arith.addi %mul3A_219, %add3A_327 : vector<16xi32>
      %lt3A_329 = arith.constant 0 : i32
      %lt3A_330 = vector.broadcast %lt3A_329 : i32 to vector<16xi32>
      %lt3A_331 = arith.cmpi slt, %add3A_328, %lt3A_330 : vector<16xi32>
      %add3A_332 = arith.constant 16 : i32
      %add3A_333 = vector.broadcast %add3A_332 : i32 to vector<16xi32>
      %add3A_334 = arith.addi %add3A_328, %add3A_333 : vector<16xi32>
      %select_n3A_335 = arith.select %lt3A_331, %add3A_334, %add3A_328 : vector<16xi1>, vector<16xi32>
      %broadcast_in_dim3A_336 = vector.shape_cast %select_n3A_335 : vector<16xi32> to vector<16x1xi32>
      %gather3A_337 = vector.shape_cast %broadcast_in_dim3A_336 : vector<16x1xi32> to vector<16xi32>
      %gather3A_338 = tpu.dynamic_gather %get3A_299[%gather3A_337] in [0] : vector<16xi32>, vector<16xi32> -> vector<16xi32>
      %add3A_339 = arith.constant 1 : i32
      %add3A_340 = vector.broadcast %add3A_339 : i32 to vector<16xi32>
      %add3A_341 = arith.addi %mul3A_219, %add3A_340 : vector<16xi32>
      %lt3A_342 = arith.constant 0 : i32
      %lt3A_343 = vector.broadcast %lt3A_342 : i32 to vector<16xi32>
      %lt3A_344 = arith.cmpi slt, %add3A_341, %lt3A_343 : vector<16xi32>
      %add3A_345 = arith.constant 16 : i32
      %add3A_346 = vector.broadcast %add3A_345 : i32 to vector<16xi32>
      %add3A_347 = arith.addi %add3A_341, %add3A_346 : vector<16xi32>
      %select_n3A_348 = arith.select %lt3A_344, %add3A_347, %add3A_341 : vector<16xi1>, vector<16xi32>
      %broadcast_in_dim3A_349 = vector.shape_cast %select_n3A_348 : vector<16xi32> to vector<16x1xi32>
      %gather3A_350 = vector.shape_cast %broadcast_in_dim3A_349 : vector<16x1xi32> to vector<16xi32>
      %gather3A_351 = tpu.dynamic_gather %get3A_305[%gather3A_350] in [0] : vector<16xi32>, vector<16xi32> -> vector<16xi32>
      %lt3A_352 = arith.constant 8 : i32
      %lt3A_353 = vector.broadcast %lt3A_352 : i32 to vector<16xi32>
      %lt3A_354 = arith.cmpi slt, %iota3A, %lt3A_353 : vector<16xi32>
      %select_n3A_355 = arith.select %lt3A_354, %gather3A_315, %gather3A_325 : vector<16xi1>, vector<16xi32>
      %mul3A_356 = arith.constant 32 : i32
      %mul3A_357 = arith.muli %rem3A_166, %mul3A_356 : i32
      %add3A_358 = arith.constant 16 : i32
      %add3A_359 = arith.addi %mul3A_357, %add3A_358 : i32
      %swap3A_360 = arith.index_cast %add3A_359 : i32 to index
      %swap3A_361 = tpu.vector_load %arg17[%swap3A_360] {strides = array<i32>} : memref<64xi32, #tpu.memory_space<vmem>>, vector<16xi32>,
      tpu.vector_store %arg17[%swap3A_360], %select_n3A_355 {strides = array<i32>} : memref<64xi32, #tpu.memory_space<vmem>>, vector<16xi32>,
      %lt3A_362 = arith.constant 8 : i32
      %lt3A_363 = vector.broadcast %lt3A_362 : i32 to vector<16xi32>
      %lt3A_364 = arith.cmpi slt, %iota3A, %lt3A_363 : vector<16xi32>
      %select_n3A_365 = arith.select %lt3A_364, %gather3A_338, %gather3A_351 : vector<16xi1>, vector<16xi32>
      %mul3A_366 = arith.constant 32 : i32
      %mul3A_367 = arith.muli %rem3A_166, %mul3A_366 : i32
      %add3A_368 = arith.constant 16 : i32
      %add3A_369 = arith.addi %mul3A_367, %add3A_368 : i32
      %swap3A_370 = arith.index_cast %add3A_369 : i32 to index
      %swap3A_371 = tpu.vector_load %arg18[%swap3A_370] {strides = array<i32>} : memref<64xi32, #tpu.memory_space<vmem>>, vector<16xi32>,
      tpu.vector_store %arg18[%swap3A_370], %select_n3A_365 {strides = array<i32>} : memref<64xi32, #tpu.memory_space<vmem>>, vector<16xi32>,
      %mul3A_372 = arith.constant 32 : i32
      %mul3A_373 = arith.muli %rem3A_166, %mul3A_372 : i32
      %dma_start3A_374 = arith.constant 0 : i32
      %dma_start3A_375 = tpu.memref_slice %arg15[%mul3A_373, %dma_start3A_374] : memref<64x64xf32, #tpu.memory_space<vmem>> -> memref<32x64xf32, #tpu.memory_space<vmem>>
      %dma_start3A_376 = tpu.memref_slice %arg14[%mul3A_373] : memref<64xi32, #tpu.memory_space<vmem>> -> memref<32xi32, #tpu.memory_space<vmem>>
      %dma_start3A_377 = arith.constant 0 : i32
      %dma_start3A_378 = arith.constant 0 : i32
      %dma_start3A_379 = tpu.memref_slice %arg6[%dma_start3A_377, %dma_start3A_378] : memref<1000x64xf32, #tpu.memory_space<hbm>> -> memref<1000x64xf32, #tpu.memory_space<hbm>>
      tpu.enqueue_indirect_dma source(%dma_start3A_379 : memref<1000x64xf32, #tpu.memory_space<hbm>>) target(%dma_start3A_375 : memref<32x64xf32, #tpu.memory_space<vmem>>) offsets(%dma_start3A_376 : memref<32xi32, #tpu.memory_space<vmem>>) semaphore(%arg24 : memref<!tpu.dma_semaphore, #tpu.memory_space<semaphore_mem>>)
      %dma_start3A_380 = arith.constant 0 : i32
      %dma_start3A_381 = tpu.memref_slice %arg19[%mul3A_373, %dma_start3A_380] : memref<64x128xf32, #tpu.memory_space<vmem>> -> memref<32x128xf32, #tpu.memory_space<vmem>>
      %dma_start3A_382 = tpu.memref_slice %arg17[%mul3A_373] : memref<64xi32, #tpu.memory_space<vmem>> -> memref<32xi32, #tpu.memory_space<vmem>>
      %dma_start3A_383 = arith.constant 0 : i32
      %dma_start3A_384 = arith.constant 0 : i32
      %dma_start3A_385 = tpu.memref_slice %arg7[%dma_start3A_383, %dma_start3A_384] : memref<100000x128xf32, #tpu.memory_space<hbm>> -> memref<100000x128xf32, #tpu.memory_space<hbm>>
      tpu.enqueue_indirect_dma source(%dma_start3A_385 : memref<100000x128xf32, #tpu.memory_space<hbm>>) target(%dma_start3A_381 : memref<32x128xf32, #tpu.memory_space<vmem>>) offsets(%dma_start3A_382 : memref<32xi32, #tpu.memory_space<vmem>>) semaphore(%arg24 : memref<!tpu.dma_semaphore, #tpu.memory_space<semaphore_mem>>)
      %dma_start3A_386 = arith.constant 0 : i32
      %dma_start3A_387 = tpu.memref_slice %arg20[%mul3A_373, %dma_start3A_386] : memref<64x128xf32, #tpu.memory_space<vmem>> -> memref<32x128xf32, #tpu.memory_space<vmem>>
      %dma_start3A_388 = tpu.memref_slice %arg18[%mul3A_373] : memref<64xi32, #tpu.memory_space<vmem>> -> memref<32xi32, #tpu.memory_space<vmem>>
      %dma_start3A_389 = arith.constant 0 : i32
      %dma_start3A_390 = arith.constant 0 : i32
      %dma_start3A_391 = tpu.memref_slice %arg7[%dma_start3A_389, %dma_start3A_390] : memref<100000x128xf32, #tpu.memory_space<hbm>> -> memref<100000x128xf32, #tpu.memory_space<hbm>>
      tpu.enqueue_indirect_dma source(%dma_start3A_391 : memref<100000x128xf32, #tpu.memory_space<hbm>>) target(%dma_start3A_387 : memref<32x128xf32, #tpu.memory_space<vmem>>) offsets(%dma_start3A_388 : memref<32xi32, #tpu.memory_space<vmem>>) semaphore(%arg24 : memref<!tpu.dma_semaphore, #tpu.memory_space<semaphore_mem>>)
      %dma_start3A_392 = arith.constant 0 : i32
      %dma_start3A_393 = tpu.memref_slice %arg22[%mul3A_373, %dma_start3A_392] : memref<64x32xf32, #tpu.memory_space<vmem>> -> memref<32x32xf32, #tpu.memory_space<vmem>>
      %dma_start3A_394 = tpu.memref_slice %arg21[%mul3A_373] : memref<64xi32, #tpu.memory_space<vmem>> -> memref<32xi32, #tpu.memory_space<vmem>>
      %dma_start3A_395 = arith.constant 0 : i32
      %dma_start3A_396 = arith.constant 0 : i32
      %dma_start3A_397 = tpu.memref_slice %arg9[%dma_start3A_395, %dma_start3A_396] : memref<1000x32xf32, #tpu.memory_space<hbm>> -> memref<1000x32xf32, #tpu.memory_space<hbm>>
      tpu.enqueue_indirect_dma source(%dma_start3A_397 : memref<1000x32xf32, #tpu.memory_space<hbm>>) target(%dma_start3A_393 : memref<32x32xf32, #tpu.memory_space<vmem>>) offsets(%dma_start3A_394 : memref<32xi32, #tpu.memory_space<vmem>>) semaphore(%arg24 : memref<!tpu.dma_semaphore, #tpu.memory_space<semaphore_mem>>)
      %add3A_398 = arith.constant 1 : i32
      %add3A_399 = arith.addi %add3A_164, %add3A_398 : i32
      %min3A = arith.constant 15 : i32
      %min3A_400 = arith.minsi %add3A_399, %min3A : i32
      %sub3A = arith.constant 1 : i32
      %sub3A_401 = arith.subi %sub3A, %rem3A_166 : i32
      %mul3A_402 = arith.constant 32 : i32
      %mul3A_403 = arith.muli %min3A_400, %mul3A_402 : i32
      %add3A_404 = arith.addi %mul3A_2, %mul3A_403 : i32
      %mul3A_405 = arith.constant 32 : i32
      %mul3A_406 = arith.muli %sub3A_401, %mul3A_405 : i32
      %dma_start3A_407 = tpu.memref_slice %arg14[%mul3A_406] : memref<64xi32, #tpu.memory_space<vmem>> -> memref<32xi32, #tpu.memory_space<vmem>>
      %dma_start3A_408 = tpu.memref_slice %arg2[%add3A_404] : memref<16384xi32, #tpu.memory_space<hbm>> -> memref<32xi32, #tpu.memory_space<hbm>>
      %dma_start3A_409 = tpu.memref_slice %arg14[%mul3A_406] : memref<64xi32, #tpu.memory_space<vmem>> -> memref<32xi32, #tpu.memory_space<vmem>>
      %dma_start3A_410 = tpu.memref_slice %arg2[%add3A_404] : memref<16384xi32, #tpu.memory_space<hbm>> -> memref<32xi32, #tpu.memory_space<hbm>>
      tpu.enqueue_dma source(%dma_start3A_410 : memref<32xi32, #tpu.memory_space<hbm>>) target(%dma_start3A_409 : memref<32xi32, #tpu.memory_space<vmem>>) target_semaphore(%arg23 : memref<!tpu.dma_semaphore, #tpu.memory_space<semaphore_mem>>)
      %mul3A_411 = arith.constant 2 : i32
      %mul3A_412 = arith.muli %mul3A_411, %add3A_404 : i32
      %mul3A_413 = arith.constant 2 : i32
      %mul3A_414 = arith.muli %sub3A_401, %mul3A_413 : i32
      %mul3A_415 = arith.constant 32 : i32
      %mul3A_416 = arith.muli %mul3A_414, %mul3A_415 : i32
      %dma_start3A_417 = tpu.memref_slice %arg16[%mul3A_416] : memref<128xi32, #tpu.memory_space<vmem>> -> memref<64xi32, #tpu.memory_space<vmem>>
      %dma_start3A_418 = tpu.memref_slice %arg3[%mul3A_412] : memref<32768xi32, #tpu.memory_space<hbm>> -> memref<64xi32, #tpu.memory_space<hbm>>
      %dma_start3A_419 = tpu.memref_slice %arg16[%mul3A_416] : memref<128xi32, #tpu.memory_space<vmem>> -> memref<64xi32, #tpu.memory_space<vmem>>
      %dma_start3A_420 = tpu.memref_slice %arg3[%mul3A_412] : memref<32768xi32, #tpu.memory_space<hbm>> -> memref<64xi32, #tpu.memory_space<hbm>>
      tpu.enqueue_dma source(%dma_start3A_420 : memref<64xi32, #tpu.memory_space<hbm>>) target(%dma_start3A_419 : memref<64xi32, #tpu.memory_space<vmem>>) target_semaphore(%arg23 : memref<!tpu.dma_semaphore, #tpu.memory_space<semaphore_mem>>)
      %mul3A_421 = arith.constant 32 : i32
      %mul3A_422 = arith.muli %sub3A_401, %mul3A_421 : i32
      %dma_start3A_423 = tpu.memref_slice %arg21[%mul3A_422] : memref<64xi32, #tpu.memory_space<vmem>> -> memref<32xi32, #tpu.memory_space<vmem>>
      %dma_start3A_424 = tpu.memref_slice %arg5[%add3A_404] : memref<16384xi32, #tpu.memory_space<hbm>> -> memref<32xi32, #tpu.memory_space<hbm>>
      %dma_start3A_425 = tpu.memref_slice %arg21[%mul3A_422] : memref<64xi32, #tpu.memory_space<vmem>> -> memref<32xi32, #tpu.memory_space<vmem>>
      %dma_start3A_426 = tpu.memref_slice %arg5[%add3A_404] : memref<16384xi32, #tpu.memory_space<hbm>> -> memref<32xi32, #tpu.memory_space<hbm>>
      tpu.enqueue_dma source(%dma_start3A_426 : memref<32xi32, #tpu.memory_space<hbm>>) target(%dma_start3A_425 : memref<32xi32, #tpu.memory_space<vmem>>) target_semaphore(%arg23 : memref<!tpu.dma_semaphore, #tpu.memory_space<semaphore_mem>>)
      %mul3A_427 = arith.constant 50 : i32
      %mul3A_428 = arith.muli %add3A_404, %mul3A_427 : i32
      %mul3A_429 = arith.constant 1616 : i32
      %mul3A_430 = arith.muli %sub3A_401, %mul3A_429 : i32
      %dma_start3A_431 = tpu.memref_slice %arg12[%mul3A_430] : memref<3232xi32, #tpu.memory_space<vmem>> -> memref<1600xi32, #tpu.memory_space<vmem>>
      %dma_start3A_432 = tpu.memref_slice %arg4[%mul3A_428] : memref<819200xi32, #tpu.memory_space<hbm>> -> memref<1600xi32, #tpu.memory_space<hbm>>
      %dma_start3A_433 = tpu.memref_slice %arg12[%mul3A_430] : memref<3232xi32, #tpu.memory_space<vmem>> -> memref<1600xi32, #tpu.memory_space<vmem>>
      %dma_start3A_434 = tpu.memref_slice %arg4[%mul3A_428] : memref<819200xi32, #tpu.memory_space<hbm>> -> memref<1600xi32, #tpu.memory_space<hbm>>
      tpu.enqueue_dma source(%dma_start3A_434 : memref<1600xi32, #tpu.memory_space<hbm>>) target(%dma_start3A_433 : memref<1600xi32, #tpu.memory_space<vmem>>) target_semaphore(%arg23 : memref<!tpu.dma_semaphore, #tpu.memory_space<semaphore_mem>>)
      %mul3A_435 = arith.constant 1616 : i32
      %mul3A_436 = arith.muli %rem3A_166, %mul3A_435 : i32
      %scan3A_437 = arith.constant 0 : i32
      %scan3A_438 = arith.constant 32 : i32
      %scan3A_439 = arith.addi %scan3A_437, %scan3A_438 : i32
      %scan3A_440 = arith.constant 1 : i32
      scf.for %scan3A_511 = %scan3A_437 to %scan3A_439 step %scan3A_440  : i32 {
        %mul3A_512 = arith.constant 1 : i32
        %mul3A_513 = arith.muli %scan3A_511, %mul3A_512 : i32
        %add3A_514 = arith.constant 0 : i32
        %add3A_515 = arith.addi %add3A_514, %mul3A_513 : i32
        %mul3A_516 = arith.constant 50 : i32
        %mul3A_517 = arith.muli %add3A_515, %mul3A_516 : i32
        %add3A_518 = arith.addi %mul3A_436, %mul3A_517 : i32
        %broadcast_in_dim3A_519 = arith.constant 0.000000e+00 : bf16
        %broadcast_in_dim3A_520 = vector.broadcast %broadcast_in_dim3A_519 : bf16 to vector<32xbf16>
        %broadcast_in_dim3A_521 = arith.constant 0.000000e+00 : bf16
        %broadcast_in_dim3A_522 = vector.broadcast %broadcast_in_dim3A_521 : bf16 to vector<32xbf16>
        %broadcast_in_dim3A_523 = arith.constant 0.000000e+00 : bf16
        %broadcast_in_dim3A_524 = vector.broadcast %broadcast_in_dim3A_523 : bf16 to vector<32xbf16>
        %scan3A_525 = arith.constant 0 : i32
        %scan3A_526 = arith.constant 3 : i32
        %scan3A_527 = arith.addi %scan3A_525, %scan3A_526 : i32
        %scan3A_528 = arith.constant 1 : i32
        %scan3A_529:3 = scf.for %scan3A_618 = %scan3A_525 to %scan3A_527 step %scan3A_528 iter_args(%scan3A_619 = %broadcast_in_dim3A_520, %scan3A_620 = %broadcast_in_dim3A_522, %scan3A_621 = %broadcast_in_dim3A_524) -> (vector<32xbf16>, vector<32xbf16>, vector<32xbf16>)  : i32 {
          %mul3A_622 = arith.constant 16 : i32
          %mul3A_623 = arith.muli %mul3A_622, %scan3A_618 : i32
          %add3A_624 = arith.addi %add3A_518, %mul3A_623 : i32
          %get3A_625 = arith.index_cast %add3A_624 : i32 to index
          %get3A_626 = tpu.vector_load %arg12[%get3A_625] {strides = array<i32>} : memref<3232xi32, #tpu.memory_space<vmem>>, vector<16xi32>,
          %mul3A_627 = arith.constant 96 : i32
          %mul3A_628 = vector.broadcast %mul3A_627 : i32 to vector<16xi32>
          %mul3A_629 = arith.muli %get3A_626, %mul3A_628 : vector<16xi32>
          %slice3A_630 = vector.extract_strided_slice %mul3A_629 {offsets = [0], sizes = [1], strides = [1]} : vector<16xi32> to vector<1xi32>
          %squeeze3A_631 = vector.extract %slice3A_630[0] : i32 from vector<1xi32>
          %multiple_of3A_632 = tpu.assume_multiple %squeeze3A_631, 32 : i32
          %add3A_633 = arith.constant 0 : i32
          %add3A_634 = arith.addi %multiple_of3A_632, %add3A_633 : i32
          %get3A_635 = arith.index_cast %add3A_634 : i32 to index
          %get3A_636 = tpu.vector_load %arg11[%get3A_635] {strides = array<i32>} : memref<96000xbf16, #tpu.memory_space<vmem>>, vector<32xbf16>,
          %add3A_637 = arith.addf %scan3A_619, %get3A_636 : vector<32xbf16>
          %add3A_638 = arith.constant 32 : i32
          %add3A_639 = arith.addi %multiple_of3A_632, %add3A_638 : i32
          %get3A_640 = arith.index_cast %add3A_639 : i32 to index
          %get3A_641 = tpu.vector_load %arg11[%get3A_640] {strides = array<i32>} : memref<96000xbf16, #tpu.memory_space<vmem>>, vector<32xbf16>,
          %add3A_642 = arith.addf %scan3A_620, %get3A_641 : vector<32xbf16>
          %add3A_643 = arith.constant 64 : i32
          %add3A_644 = arith.addi %multiple_of3A_632, %add3A_643 : i32
          %get3A_645 = arith.index_cast %add3A_644 : i32 to index
          %get3A_646 = tpu.vector_load %arg11[%get3A_645] {strides = array<i32>} : memref<96000xbf16, #tpu.memory_space<vmem>>, vector<32xbf16>,
          %add3A_647 = arith.addf %scan3A_621, %get3A_646 : vector<32xbf16>
          %slice3A_648 = vector.extract_strided_slice %mul3A_629 {offsets = [1], sizes = [1], strides = [1]} : vector<16xi32> to vector<1xi32>
          %squeeze3A_649 = vector.extract %slice3A_648[0] : i32 from vector<1xi32>
          %multiple_of3A_650 = tpu.assume_multiple %squeeze3A_649, 32 : i32
          %add3A_651 = arith.constant 0 : i32
          %add3A_652 = arith.addi %multiple_of3A_650, %add3A_651 : i32
          %get3A_653 = arith.index_cast %add3A_652 : i32 to index
          %get3A_654 = tpu.vector_load %arg11[%get3A_653] {strides = array<i32>} : memref<96000xbf16, #tpu.memory_space<vmem>>, vector<32xbf16>,
          %add3A_655 = arith.addf %add3A_637, %get3A_654 : vector<32xbf16>
          %add3A_656 = arith.constant 32 : i32
          %add3A_657 = arith.addi %multiple_of3A_650, %add3A_656 : i32
          %get3A_658 = arith.index_cast %add3A_657 : i32 to index
          %get3A_659 = tpu.vector_load %arg11[%get3A_658] {strides = array<i32>} : memref<96000xbf16, #tpu.memory_space<vmem>>, vector<32xbf16>,
          %add3A_660 = arith.addf %add3A_642, %get3A_659 : vector<32xbf16>
          %add3A_661 = arith.constant 64 : i32
          %add3A_662 = arith.addi %multiple_of3A_650, %add3A_661 : i32
          %get3A_663 = arith.index_cast %add3A_662 : i32 to index
          %get3A_664 = tpu.vector_load %arg11[%get3A_663] {strides = array<i32>} : memref<96000xbf16, #tpu.memory_space<vmem>>, vector<32xbf16>,
          %add3A_665 = arith.addf %add3A_647, %get3A_664 : vector<32xbf16>
          %slice3A_666 = vector.extract_strided_slice %mul3A_629 {offsets = [2], sizes = [1], strides = [1]} : vector<16xi32> to vector<1xi32>
          %squeeze3A_667 = vector.extract %slice3A_666[0] : i32 from vector<1xi32>
          %multiple_of3A_668 = tpu.assume_multiple %squeeze3A_667, 32 : i32
          %add3A_669 = arith.constant 0 : i32
          %add3A_670 = arith.addi %multiple_of3A_668, %add3A_669 : i32
          %get3A_671 = arith.index_cast %add3A_670 : i32 to index
          %get3A_672 = tpu.vector_load %arg11[%get3A_671] {strides = array<i32>} : memref<96000xbf16, #tpu.memory_space<vmem>>, vector<32xbf16>,
          %add3A_673 = arith.addf %add3A_655, %get3A_672 : vector<32xbf16>
          %add3A_674 = arith.constant 32 : i32
          %add3A_675 = arith.addi %multiple_of3A_668, %add3A_674 : i32
          %get3A_676 = arith.index_cast %add3A_675 : i32 to index
          %get3A_677 = tpu.vector_load %arg11[%get3A_676] {strides = array<i32>} : memref<96000xbf16, #tpu.memory_space<vmem>>, vector<32xbf16>,
          %add3A_678 = arith.addf %add3A_660, %get3A_677 : vector<32xbf16>
          %add3A_679 = arith.constant 64 : i32
          %add3A_680 = arith.addi %multiple_of3A_668, %add3A_679 : i32
          %get3A_681 = arith.index_cast %add3A_680 : i32 to index
          %get3A_682 = tpu.vector_load %arg11[%get3A_681] {strides = array<i32>} : memref<96000xbf16, #tpu.memory_space<vmem>>, vector<32xbf16>,
          %add3A_683 = arith.addf %add3A_665, %get3A_682 : vector<32xbf16>
          %slice3A_684 = vector.extract_strided_slice %mul3A_629 {offsets = [3], sizes = [1], strides = [1]} : vector<16xi32> to vector<1xi32>
          %squeeze3A_685 = vector.extract %slice3A_684[0] : i32 from vector<1xi32>
          %multiple_of3A_686 = tpu.assume_multiple %squeeze3A_685, 32 : i32
          %add3A_687 = arith.constant 0 : i32
          %add3A_688 = arith.addi %multiple_of3A_686, %add3A_687 : i32
          %get3A_689 = arith.index_cast %add3A_688 : i32 to index
          %get3A_690 = tpu.vector_load %arg11[%get3A_689] {strides = array<i32>} : memref<96000xbf16, #tpu.memory_space<vmem>>, vector<32xbf16>,
          %add3A_691 = arith.addf %add3A_673, %get3A_690 : vector<32xbf16>
          %add3A_692 = arith.constant 32 : i32
          %add3A_693 = arith.addi %multiple_of3A_686, %add3A_692 : i32
          %get3A_694 = arith.index_cast %add3A_693 : i32 to index
          %get3A_695 = tpu.vector_load %arg11[%get3A_694] {strides = array<i32>} : memref<96000xbf16, #tpu.memory_space<vmem>>, vector<32xbf16>,
          %add3A_696 = arith.addf %add3A_678, %get3A_695 : vector<32xbf16>
          %add3A_697 = arith.constant 64 : i32
          %add3A_698 = arith.addi %multiple_of3A_686, %add3A_697 : i32
          %get3A_699 = arith.index_cast %add3A_698 : i32 to index
          %get3A_700 = tpu.vector_load %arg11[%get3A_699] {strides = array<i32>} : memref<96000xbf16, #tpu.memory_space<vmem>>, vector<32xbf16>,
          %add3A_701 = arith.addf %add3A_683, %get3A_700 : vector<32xbf16>
          %slice3A_702 = vector.extract_strided_slice %mul3A_629 {offsets = [4], sizes = [1], strides = [1]} : vector<16xi32> to vector<1xi32>
          %squeeze3A_703 = vector.extract %slice3A_702[0] : i32 from vector<1xi32>
          %multiple_of3A_704 = tpu.assume_multiple %squeeze3A_703, 32 : i32
          %add3A_705 = arith.constant 0 : i32
          %add3A_706 = arith.addi %multiple_of3A_704, %add3A_705 : i32
          %get3A_707 = arith.index_cast %add3A_706 : i32 to index
          %get3A_708 = tpu.vector_load %arg11[%get3A_707] {strides = array<i32>} : memref<96000xbf16, #tpu.memory_space<vmem>>, vector<32xbf16>,
          %add3A_709 = arith.addf %add3A_691, %get3A_708 : vector<32xbf16>
          %add3A_710 = arith.constant 32 : i32
          %add3A_711 = arith.addi %multiple_of3A_704, %add3A_710 : i32
          %get3A_712 = arith.index_cast %add3A_711 : i32 to index
          %get3A_713 = tpu.vector_load %arg11[%get3A_712] {strides = array<i32>} : memref<96000xbf16, #tpu.memory_space<vmem>>, vector<32xbf16>,
          %add3A_714 = arith.addf %add3A_696, %get3A_713 : vector<32xbf16>
          %add3A_715 = arith.constant 64 : i32
          %add3A_716 = arith.addi %multiple_of3A_704, %add3A_715 : i32
          %get3A_717 = arith.index_cast %add3A_716 : i32 to index
          %get3A_718 = tpu.vector_load %arg11[%get3A_717] {strides = array<i32>} : memref<96000xbf16, #tpu.memory_space<vmem>>, vector<32xbf16>,
          %add3A_719 = arith.addf %add3A_701, %get3A_718 : vector<32xbf16>
          %slice3A_720 = vector.extract_strided_slice %mul3A_629 {offsets = [5], sizes = [1], strides = [1]} : vector<16xi32> to vector<1xi32>
          %squeeze3A_721 = vector.extract %slice3A_720[0] : i32 from vector<1xi32>
          %multiple_of3A_722 = tpu.assume_multiple %squeeze3A_721, 32 : i32
          %add3A_723 = arith.constant 0 : i32
          %add3A_724 = arith.addi %multiple_of3A_722, %add3A_723 : i32
          %get3A_725 = arith.index_cast %add3A_724 : i32 to index
          %get3A_726 = tpu.vector_load %arg11[%get3A_725] {strides = array<i32>} : memref<96000xbf16, #tpu.memory_space<vmem>>, vector<32xbf16>,
          %add3A_727 = arith.addf %add3A_709, %get3A_726 : vector<32xbf16>
          %add3A_728 = arith.constant 32 : i32
          %add3A_729 = arith.addi %multiple_of3A_722, %add3A_728 : i32
          %get3A_730 = arith.index_cast %add3A_729 : i32 to index
          %get3A_731 = tpu.vector_load %arg11[%get3A_730] {strides = array<i32>} : memref<96000xbf16, #tpu.memory_space<vmem>>, vector<32xbf16>,
          %add3A_732 = arith.addf %add3A_714, %get3A_731 : vector<32xbf16>
          %add3A_733 = arith.constant 64 : i32
          %add3A_734 = arith.addi %multiple_of3A_722, %add3A_733 : i32
          %get3A_735 = arith.index_cast %add3A_734 : i32 to index
          %get3A_736 = tpu.vector_load %arg11[%get3A_735] {strides = array<i32>} : memref<96000xbf16, #tpu.memory_space<vmem>>, vector<32xbf16>,
          %add3A_737 = arith.addf %add3A_719, %get3A_736 : vector<32xbf16>
          %slice3A_738 = vector.extract_strided_slice %mul3A_629 {offsets = [6], sizes = [1], strides = [1]} : vector<16xi32> to vector<1xi32>
          %squeeze3A_739 = vector.extract %slice3A_738[0] : i32 from vector<1xi32>
          %multiple_of3A_740 = tpu.assume_multiple %squeeze3A_739, 32 : i32
          %add3A_741 = arith.constant 0 : i32
          %add3A_742 = arith.addi %multiple_of3A_740, %add3A_741 : i32
          %get3A_743 = arith.index_cast %add3A_742 : i32 to index
          %get3A_744 = tpu.vector_load %arg11[%get3A_743] {strides = array<i32>} : memref<96000xbf16, #tpu.memory_space<vmem>>, vector<32xbf16>,
          %add3A_745 = arith.addf %add3A_727, %get3A_744 : vector<32xbf16>
          %add3A_746 = arith.constant 32 : i32
          %add3A_747 = arith.addi %multiple_of3A_740, %add3A_746 : i32
          %get3A_748 = arith.index_cast %add3A_747 : i32 to index
          %get3A_749 = tpu.vector_load %arg11[%get3A_748] {strides = array<i32>} : memref<96000xbf16, #tpu.memory_space<vmem>>, vector<32xbf16>,
          %add3A_750 = arith.addf %add3A_732, %get3A_749 : vector<32xbf16>
          %add3A_751 = arith.constant 64 : i32
          %add3A_752 = arith.addi %multiple_of3A_740, %add3A_751 : i32
          %get3A_753 = arith.index_cast %add3A_752 : i32 to index
          %get3A_754 = tpu.vector_load %arg11[%get3A_753] {strides = array<i32>} : memref<96000xbf16, #tpu.memory_space<vmem>>, vector<32xbf16>,
          %add3A_755 = arith.addf %add3A_737, %get3A_754 : vector<32xbf16>
          %slice3A_756 = vector.extract_strided_slice %mul3A_629 {offsets = [7], sizes = [1], strides = [1]} : vector<16xi32> to vector<1xi32>
          %squeeze3A_757 = vector.extract %slice3A_756[0] : i32 from vector<1xi32>
          %multiple_of3A_758 = tpu.assume_multiple %squeeze3A_757, 32 : i32
          %add3A_759 = arith.constant 0 : i32
          %add3A_760 = arith.addi %multiple_of3A_758, %add3A_759 : i32
          %get3A_761 = arith.index_cast %add3A_760 : i32 to index
          %get3A_762 = tpu.vector_load %arg11[%get3A_761] {strides = array<i32>} : memref<96000xbf16, #tpu.memory_space<vmem>>, vector<32xbf16>,
          %add3A_763 = arith.addf %add3A_745, %get3A_762 : vector<32xbf16>
          %add3A_764 = arith.constant 32 : i32
          %add3A_765 = arith.addi %multiple_of3A_758, %add3A_764 : i32
          %get3A_766 = arith.index_cast %add3A_765 : i32 to index
          %get3A_767 = tpu.vector_load %arg11[%get3A_766] {strides = array<i32>} : memref<96000xbf16, #tpu.memory_space<vmem>>, vector<32xbf16>,
          %add3A_768 = arith.addf %add3A_750, %get3A_767 : vector<32xbf16>
          %add3A_769 = arith.constant 64 : i32
          %add3A_770 = arith.addi %multiple_of3A_758, %add3A_769 : i32
          %get3A_771 = arith.index_cast %add3A_770 : i32 to index
          %get3A_772 = tpu.vector_load %arg11[%get3A_771] {strides = array<i32>} : memref<96000xbf16, #tpu.memory_space<vmem>>, vector<32xbf16>,
          %add3A_773 = arith.addf %add3A_755, %get3A_772 : vector<32xbf16>
          %slice3A_774 = vector.extract_strided_slice %mul3A_629 {offsets = [8], sizes = [1], strides = [1]} : vector<16xi32> to vector<1xi32>
          %squeeze3A_775 = vector.extract %slice3A_774[0] : i32 from vector<1xi32>
          %multiple_of3A_776 = tpu.assume_multiple %squeeze3A_775, 32 : i32
          %add3A_777 = arith.constant 0 : i32
          %add3A_778 = arith.addi %multiple_of3A_776, %add3A_777 : i32
          %get3A_779 = arith.index_cast %add3A_778 : i32 to index
          %get3A_780 = tpu.vector_load %arg11[%get3A_779] {strides = array<i32>} : memref<96000xbf16, #tpu.memory_space<vmem>>, vector<32xbf16>,
          %add3A_781 = arith.addf %add3A_763, %get3A_780 : vector<32xbf16>
          %add3A_782 = arith.constant 32 : i32
          %add3A_783 = arith.addi %multiple_of3A_776, %add3A_782 : i32
          %get3A_784 = arith.index_cast %add3A_783 : i32 to index
          %get3A_785 = tpu.vector_load %arg11[%get3A_784] {strides = array<i32>} : memref<96000xbf16, #tpu.memory_space<vmem>>, vector<32xbf16>,
          %add3A_786 = arith.addf %add3A_768, %get3A_785 : vector<32xbf16>
          %add3A_787 = arith.constant 64 : i32
          %add3A_788 = arith.addi %multiple_of3A_776, %add3A_787 : i32
          %get3A_789 = arith.index_cast %add3A_788 : i32 to index
          %get3A_790 = tpu.vector_load %arg11[%get3A_789] {strides = array<i32>} : memref<96000xbf16, #tpu.memory_space<vmem>>, vector<32xbf16>,
          %add3A_791 = arith.addf %add3A_773, %get3A_790 : vector<32xbf16>
          %slice3A_792 = vector.extract_strided_slice %mul3A_629 {offsets = [9], sizes = [1], strides = [1]} : vector<16xi32> to vector<1xi32>
          %squeeze3A_793 = vector.extract %slice3A_792[0] : i32 from vector<1xi32>
          %multiple_of3A_794 = tpu.assume_multiple %squeeze3A_793, 32 : i32
          %add3A_795 = arith.constant 0 : i32
          %add3A_796 = arith.addi %multiple_of3A_794, %add3A_795 : i32
          %get3A_797 = arith.index_cast %add3A_796 : i32 to index
          %get3A_798 = tpu.vector_load %arg11[%get3A_797] {strides = array<i32>} : memref<96000xbf16, #tpu.memory_space<vmem>>, vector<32xbf16>,
          %add3A_799 = arith.addf %add3A_781, %get3A_798 : vector<32xbf16>
          %add3A_800 = arith.constant 32 : i32
          %add3A_801 = arith.addi %multiple_of3A_794, %add3A_800 : i32
          %get3A_802 = arith.index_cast %add3A_801 : i32 to index
          %get3A_803 = tpu.vector_load %arg11[%get3A_802] {strides = array<i32>} : memref<96000xbf16, #tpu.memory_space<vmem>>, vector<32xbf16>,
          %add3A_804 = arith.addf %add3A_786, %get3A_803 : vector<32xbf16>
          %add3A_805 = arith.constant 64 : i32
          %add3A_806 = arith.addi %multiple_of3A_794, %add3A_805 : i32
          %get3A_807 = arith.index_cast %add3A_806 : i32 to index
          %get3A_808 = tpu.vector_load %arg11[%get3A_807] {strides = array<i32>} : memref<96000xbf16, #tpu.memory_space<vmem>>, vector<32xbf16>,
          %add3A_809 = arith.addf %add3A_791, %get3A_808 : vector<32xbf16>
          %slice3A_810 = vector.extract_strided_slice %mul3A_629 {offsets = [10], sizes = [1], strides = [1]} : vector<16xi32> to vector<1xi32>
          %squeeze3A_811 = vector.extract %slice3A_810[0] : i32 from vector<1xi32>
          %multiple_of3A_812 = tpu.assume_multiple %squeeze3A_811, 32 : i32
          %add3A_813 = arith.constant 0 : i32
          %add3A_814 = arith.addi %multiple_of3A_812, %add3A_813 : i32
          %get3A_815 = arith.index_cast %add3A_814 : i32 to index
          %get3A_816 = tpu.vector_load %arg11[%get3A_815] {strides = array<i32>} : memref<96000xbf16, #tpu.memory_space<vmem>>, vector<32xbf16>,
          %add3A_817 = arith.addf %add3A_799, %get3A_816 : vector<32xbf16>
          %add3A_818 = arith.constant 32 : i32
          %add3A_819 = arith.addi %multiple_of3A_812, %add3A_818 : i32
          %get3A_820 = arith.index_cast %add3A_819 : i32 to index
          %get3A_821 = tpu.vector_load %arg11[%get3A_820] {strides = array<i32>} : memref<96000xbf16, #tpu.memory_space<vmem>>, vector<32xbf16>,
          %add3A_822 = arith.addf %add3A_804, %get3A_821 : vector<32xbf16>
          %add3A_823 = arith.constant 64 : i32
          %add3A_824 = arith.addi %multiple_of3A_812, %add3A_823 : i32
          %get3A_825 = arith.index_cast %add3A_824 : i32 to index
          %get3A_826 = tpu.vector_load %arg11[%get3A_825] {strides = array<i32>} : memref<96000xbf16, #tpu.memory_space<vmem>>, vector<32xbf16>,
          %add3A_827 = arith.addf %add3A_809, %get3A_826 : vector<32xbf16>
          %slice3A_828 = vector.extract_strided_slice %mul3A_629 {offsets = [11], sizes = [1], strides = [1]} : vector<16xi32> to vector<1xi32>
          %squeeze3A_829 = vector.extract %slice3A_828[0] : i32 from vector<1xi32>
          %multiple_of3A_830 = tpu.assume_multiple %squeeze3A_829, 32 : i32
          %add3A_831 = arith.constant 0 : i32
          %add3A_832 = arith.addi %multiple_of3A_830, %add3A_831 : i32
          %get3A_833 = arith.index_cast %add3A_832 : i32 to index
          %get3A_834 = tpu.vector_load %arg11[%get3A_833] {strides = array<i32>} : memref<96000xbf16, #tpu.memory_space<vmem>>, vector<32xbf16>,
          %add3A_835 = arith.addf %add3A_817, %get3A_834 : vector<32xbf16>
          %add3A_836 = arith.constant 32 : i32
          %add3A_837 = arith.addi %multiple_of3A_830, %add3A_836 : i32
          %get3A_838 = arith.index_cast %add3A_837 : i32 to index
          %get3A_839 = tpu.vector_load %arg11[%get3A_838] {strides = array<i32>} : memref<96000xbf16, #tpu.memory_space<vmem>>, vector<32xbf16>,
          %add3A_840 = arith.addf %add3A_822, %get3A_839 : vector<32xbf16>
          %add3A_841 = arith.constant 64 : i32
          %add3A_842 = arith.addi %multiple_of3A_830, %add3A_841 : i32
          %get3A_843 = arith.index_cast %add3A_842 : i32 to index
          %get3A_844 = tpu.vector_load %arg11[%get3A_843] {strides = array<i32>} : memref<96000xbf16, #tpu.memory_space<vmem>>, vector<32xbf16>,
          %add3A_845 = arith.addf %add3A_827, %get3A_844 : vector<32xbf16>
          %slice3A_846 = vector.extract_strided_slice %mul3A_629 {offsets = [12], sizes = [1], strides = [1]} : vector<16xi32> to vector<1xi32>
          %squeeze3A_847 = vector.extract %slice3A_846[0] : i32 from vector<1xi32>
          %multiple_of3A_848 = tpu.assume_multiple %squeeze3A_847, 32 : i32
          %add3A_849 = arith.constant 0 : i32
          %add3A_850 = arith.addi %multiple_of3A_848, %add3A_849 : i32
          %get3A_851 = arith.index_cast %add3A_850 : i32 to index
          %get3A_852 = tpu.vector_load %arg11[%get3A_851] {strides = array<i32>} : memref<96000xbf16, #tpu.memory_space<vmem>>, vector<32xbf16>,
          %add3A_853 = arith.addf %add3A_835, %get3A_852 : vector<32xbf16>
          %add3A_854 = arith.constant 32 : i32
          %add3A_855 = arith.addi %multiple_of3A_848, %add3A_854 : i32
          %get3A_856 = arith.index_cast %add3A_855 : i32 to index
          %get3A_857 = tpu.vector_load %arg11[%get3A_856] {strides = array<i32>} : memref<96000xbf16, #tpu.memory_space<vmem>>, vector<32xbf16>,
          %add3A_858 = arith.addf %add3A_840, %get3A_857 : vector<32xbf16>
          %add3A_859 = arith.constant 64 : i32
          %add3A_860 = arith.addi %multiple_of3A_848, %add3A_859 : i32
          %get3A_861 = arith.index_cast %add3A_860 : i32 to index
          %get3A_862 = tpu.vector_load %arg11[%get3A_861] {strides = array<i32>} : memref<96000xbf16, #tpu.memory_space<vmem>>, vector<32xbf16>,
          %add3A_863 = arith.addf %add3A_845, %get3A_862 : vector<32xbf16>
          %slice3A_864 = vector.extract_strided_slice %mul3A_629 {offsets = [13], sizes = [1], strides = [1]} : vector<16xi32> to vector<1xi32>
          %squeeze3A_865 = vector.extract %slice3A_864[0] : i32 from vector<1xi32>
          %multiple_of3A_866 = tpu.assume_multiple %squeeze3A_865, 32 : i32
          %add3A_867 = arith.constant 0 : i32
          %add3A_868 = arith.addi %multiple_of3A_866, %add3A_867 : i32
          %get3A_869 = arith.index_cast %add3A_868 : i32 to index
          %get3A_870 = tpu.vector_load %arg11[%get3A_869] {strides = array<i32>} : memref<96000xbf16, #tpu.memory_space<vmem>>, vector<32xbf16>,
          %add3A_871 = arith.addf %add3A_853, %get3A_870 : vector<32xbf16>
          %add3A_872 = arith.constant 32 : i32
          %add3A_873 = arith.addi %multiple_of3A_866, %add3A_872 : i32
          %get3A_874 = arith.index_cast %add3A_873 : i32 to index
          %get3A_875 = tpu.vector_load %arg11[%get3A_874] {strides = array<i32>} : memref<96000xbf16, #tpu.memory_space<vmem>>, vector<32xbf16>,
          %add3A_876 = arith.addf %add3A_858, %get3A_875 : vector<32xbf16>
          %add3A_877 = arith.constant 64 : i32
          %add3A_878 = arith.addi %multiple_of3A_866, %add3A_877 : i32
          %get3A_879 = arith.index_cast %add3A_878 : i32 to index
          %get3A_880 = tpu.vector_load %arg11[%get3A_879] {strides = array<i32>} : memref<96000xbf16, #tpu.memory_space<vmem>>, vector<32xbf16>,
          %add3A_881 = arith.addf %add3A_863, %get3A_880 : vector<32xbf16>
          %slice3A_882 = vector.extract_strided_slice %mul3A_629 {offsets = [14], sizes = [1], strides = [1]} : vector<16xi32> to vector<1xi32>
          %squeeze3A_883 = vector.extract %slice3A_882[0] : i32 from vector<1xi32>
          %multiple_of3A_884 = tpu.assume_multiple %squeeze3A_883, 32 : i32
          %add3A_885 = arith.constant 0 : i32
          %add3A_886 = arith.addi %multiple_of3A_884, %add3A_885 : i32
          %get3A_887 = arith.index_cast %add3A_886 : i32 to index
          %get3A_888 = tpu.vector_load %arg11[%get3A_887] {strides = array<i32>} : memref<96000xbf16, #tpu.memory_space<vmem>>, vector<32xbf16>,
          %add3A_889 = arith.addf %add3A_871, %get3A_888 : vector<32xbf16>
          %add3A_890 = arith.constant 32 : i32
          %add3A_891 = arith.addi %multiple_of3A_884, %add3A_890 : i32
          %get3A_892 = arith.index_cast %add3A_891 : i32 to index
          %get3A_893 = tpu.vector_load %arg11[%get3A_892] {strides = array<i32>} : memref<96000xbf16, #tpu.memory_space<vmem>>, vector<32xbf16>,
          %add3A_894 = arith.addf %add3A_876, %get3A_893 : vector<32xbf16>
          %add3A_895 = arith.constant 64 : i32
          %add3A_896 = arith.addi %multiple_of3A_884, %add3A_895 : i32
          %get3A_897 = arith.index_cast %add3A_896 : i32 to index
          %get3A_898 = tpu.vector_load %arg11[%get3A_897] {strides = array<i32>} : memref<96000xbf16, #tpu.memory_space<vmem>>, vector<32xbf16>,
          %add3A_899 = arith.addf %add3A_881, %get3A_898 : vector<32xbf16>
          %slice3A_900 = vector.extract_strided_slice %mul3A_629 {offsets = [15], sizes = [1], strides = [1]} : vector<16xi32> to vector<1xi32>
          %squeeze3A_901 = vector.extract %slice3A_900[0] : i32 from vector<1xi32>
          %multiple_of3A_902 = tpu.assume_multiple %squeeze3A_901, 32 : i32
          %add3A_903 = arith.constant 0 : i32
          %add3A_904 = arith.addi %multiple_of3A_902, %add3A_903 : i32
          %get3A_905 = arith.index_cast %add3A_904 : i32 to index
          %get3A_906 = tpu.vector_load %arg11[%get3A_905] {strides = array<i32>} : memref<96000xbf16, #tpu.memory_space<vmem>>, vector<32xbf16>,
          %add3A_907 = arith.addf %add3A_889, %get3A_906 : vector<32xbf16>
          %add3A_908 = arith.constant 32 : i32
          %add3A_909 = arith.addi %multiple_of3A_902, %add3A_908 : i32
          %get3A_910 = arith.index_cast %add3A_909 : i32 to index
          %get3A_911 = tpu.vector_load %arg11[%get3A_910] {strides = array<i32>} : memref<96000xbf16, #tpu.memory_space<vmem>>, vector<32xbf16>,
          %add3A_912 = arith.addf %add3A_894, %get3A_911 : vector<32xbf16>
          %add3A_913 = arith.constant 64 : i32
          %add3A_914 = arith.addi %multiple_of3A_902, %add3A_913 : i32
          %get3A_915 = arith.index_cast %add3A_914 : i32 to index
          %get3A_916 = tpu.vector_load %arg11[%get3A_915] {strides = array<i32>} : memref<96000xbf16, #tpu.memory_space<vmem>>, vector<32xbf16>,
          %add3A_917 = arith.addf %add3A_899, %get3A_916 : vector<32xbf16>
          scf.yield %add3A_907, %add3A_912, %add3A_917 : vector<32xbf16>, vector<32xbf16>, vector<32xbf16>
        }
        %scan3A_530 = arith.constant 3 : i32
        %add3A_531 = arith.constant 48 : i32
        %add3A_532 = arith.addi %add3A_518, %add3A_531 : i32
        %get3A_533 = arith.index_cast %add3A_532 : i32 to index
        %get3A_534 = tpu.vector_load %arg12[%get3A_533] {strides = array<i32>} : memref<3232xi32, #tpu.memory_space<vmem>>, vector<16xi32>,
        %mul3A_535 = arith.constant 96 : i32
        %mul3A_536 = vector.broadcast %mul3A_535 : i32 to vector<16xi32>
        %mul3A_537 = arith.muli %get3A_534, %mul3A_536 : vector<16xi32>
        %slice3A = vector.extract_strided_slice %mul3A_537 {offsets = [0], sizes = [1], strides = [1]} : vector<16xi32> to vector<1xi32>
        %squeeze3A = vector.extract %slice3A[0] : i32 from vector<1xi32>
        %multiple_of3A = tpu.assume_multiple %squeeze3A, 32 : i32
        %add3A_538 = arith.constant 0 : i32
        %add3A_539 = arith.addi %multiple_of3A, %add3A_538 : i32
        %get3A_540 = arith.index_cast %add3A_539 : i32 to index
        %get3A_541 = tpu.vector_load %arg11[%get3A_540] {strides = array<i32>} : memref<96000xbf16, #tpu.memory_space<vmem>>, vector<32xbf16>,
        %add3A_542 = arith.addf %scan3A_529#0, %get3A_541 : vector<32xbf16>
        %add3A_543 = arith.constant 32 : i32
        %add3A_544 = arith.addi %multiple_of3A, %add3A_543 : i32
        %get3A_545 = arith.index_cast %add3A_544 : i32 to index
        %get3A_546 = tpu.vector_load %arg11[%get3A_545] {strides = array<i32>} : memref<96000xbf16, #tpu.memory_space<vmem>>, vector<32xbf16>,
        %add3A_547 = arith.addf %scan3A_529#1, %get3A_546 : vector<32xbf16>
        %add3A_548 = arith.constant 64 : i32
        %add3A_549 = arith.addi %multiple_of3A, %add3A_548 : i32
        %get3A_550 = arith.index_cast %add3A_549 : i32 to index
        %get3A_551 = tpu.vector_load %arg11[%get3A_550] {strides = array<i32>} : memref<96000xbf16, #tpu.memory_space<vmem>>, vector<32xbf16>,
        %add3A_552 = arith.addf %scan3A_529#2, %get3A_551 : vector<32xbf16>
        %slice3A_553 = vector.extract_strided_slice %mul3A_537 {offsets = [1], sizes = [1], strides = [1]} : vector<16xi32> to vector<1xi32>
        %squeeze3A_554 = vector.extract %slice3A_553[0] : i32 from vector<1xi32>
        %multiple_of3A_555 = tpu.assume_multiple %squeeze3A_554, 32 : i32
        %add3A_556 = arith.constant 0 : i32
        %add3A_557 = arith.addi %multiple_of3A_555, %add3A_556 : i32
        %get3A_558 = arith.index_cast %add3A_557 : i32 to index
        %get3A_559 = tpu.vector_load %arg11[%get3A_558] {strides = array<i32>} : memref<96000xbf16, #tpu.memory_space<vmem>>, vector<32xbf16>,
        %add3A_560 = arith.addf %add3A_542, %get3A_559 : vector<32xbf16>
        %add3A_561 = arith.constant 32 : i32
        %add3A_562 = arith.addi %multiple_of3A_555, %add3A_561 : i32
        %get3A_563 = arith.index_cast %add3A_562 : i32 to index
        %get3A_564 = tpu.vector_load %arg11[%get3A_563] {strides = array<i32>} : memref<96000xbf16, #tpu.memory_space<vmem>>, vector<32xbf16>,
        %add3A_565 = arith.addf %add3A_547, %get3A_564 : vector<32xbf16>
        %add3A_566 = arith.constant 64 : i32
        %add3A_567 = arith.addi %multiple_of3A_555, %add3A_566 : i32
        %get3A_568 = arith.index_cast %add3A_567 : i32 to index
        %get3A_569 = tpu.vector_load %arg11[%get3A_568] {strides = array<i32>} : memref<96000xbf16, #tpu.memory_space<vmem>>, vector<32xbf16>,
        %add3A_570 = arith.addf %add3A_552, %get3A_569 : vector<32xbf16>
        %unpack3A = tpu.unpack_subelements %add3A_560, 0 {pack_format = #tpu.pack_format<interleaved>} : vector<32xbf16> -> vector<16xf32>
        %unpack3A_571 = tpu.unpack_subelements %add3A_560, 1 {pack_format = #tpu.pack_format<interleaved>} : vector<32xbf16> -> vector<16xf32>
        %mul3A_572 = arith.constant 2.000000e-02 : f32
        %mul3A_573 = vector.broadcast %mul3A_572 : f32 to vector<16xf32>
        %mul3A_574 = arith.mulf %unpack3A, %mul3A_573 : vector<16xf32>
        %add3A_575 = arith.addi %mul3A_373, %add3A_515 : i32
        %swap3A_576 = arith.index_cast %add3A_575 : i32 to index
        %swap3A_577 = arith.constant 0 : index
        %swap3A_578 = tpu.vector_load %arg13[%swap3A_576, %swap3A_577] {strides = array<i32>} : memref<64x96xf32, #tpu.memory_space<vmem>>, vector<16xf32>,
        tpu.vector_store %arg13[%swap3A_576, %swap3A_577], %mul3A_574 {strides = array<i32>} : memref<64x96xf32, #tpu.memory_space<vmem>>, vector<16xf32>,
        %mul3A_579 = arith.constant 2.000000e-02 : f32
        %mul3A_580 = vector.broadcast %mul3A_579 : f32 to vector<16xf32>
        %mul3A_581 = arith.mulf %unpack3A_571, %mul3A_580 : vector<16xf32>
        %add3A_582 = arith.addi %mul3A_373, %add3A_515 : i32
        %swap3A_583 = arith.index_cast %add3A_582 : i32 to index
        %swap3A_584 = arith.constant 16 : index
        %swap3A_585 = tpu.vector_load %arg13[%swap3A_583, %swap3A_584] {strides = array<i32>} : memref<64x96xf32, #tpu.memory_space<vmem>>, vector<16xf32>,
        tpu.vector_store %arg13[%swap3A_583, %swap3A_584], %mul3A_581 {strides = array<i32>} : memref<64x96xf32, #tpu.memory_space<vmem>>, vector<16xf32>,
        %unpack3A_586 = tpu.unpack_subelements %add3A_565, 0 {pack_format = #tpu.pack_format<interleaved>} : vector<32xbf16> -> vector<16xf32>
        %unpack3A_587 = tpu.unpack_subelements %add3A_565, 1 {pack_format = #tpu.pack_format<interleaved>} : vector<32xbf16> -> vector<16xf32>
        %mul3A_588 = arith.constant 2.000000e-02 : f32
        %mul3A_589 = vector.broadcast %mul3A_588 : f32 to vector<16xf32>
        %mul3A_590 = arith.mulf %unpack3A_586, %mul3A_589 : vector<16xf32>
        %add3A_591 = arith.addi %mul3A_373, %add3A_515 : i32
        %swap3A_592 = arith.index_cast %add3A_591 : i32 to index
        %swap3A_593 = arith.constant 32 : index
        %swap3A_594 = tpu.vector_load %arg13[%swap3A_592, %swap3A_593] {strides = array<i32>} : memref<64x96xf32, #tpu.memory_space<vmem>>, vector<16xf32>,
        tpu.vector_store %arg13[%swap3A_592, %swap3A_593], %mul3A_590 {strides = array<i32>} : memref<64x96xf32, #tpu.memory_space<vmem>>, vector<16xf32>,
        %mul3A_595 = arith.constant 2.000000e-02 : f32
        %mul3A_596 = vector.broadcast %mul3A_595 : f32 to vector<16xf32>
        %mul3A_597 = arith.mulf %unpack3A_587, %mul3A_596 : vector<16xf32>
        %add3A_598 = arith.addi %mul3A_373, %add3A_515 : i32
        %swap3A_599 = arith.index_cast %add3A_598 : i32 to index
        %swap3A_600 = arith.constant 48 : index
        %swap3A_601 = tpu.vector_load %arg13[%swap3A_599, %swap3A_600] {strides = array<i32>} : memref<64x96xf32, #tpu.memory_space<vmem>>, vector<16xf32>,
        tpu.vector_store %arg13[%swap3A_599, %swap3A_600], %mul3A_597 {strides = array<i32>} : memref<64x96xf32, #tpu.memory_space<vmem>>, vector<16xf32>,
        %unpack3A_602 = tpu.unpack_subelements %add3A_570, 0 {pack_format = #tpu.pack_format<interleaved>} : vector<32xbf16> -> vector<16xf32>
        %unpack3A_603 = tpu.unpack_subelements %add3A_570, 1 {pack_format = #tpu.pack_format<interleaved>} : vector<32xbf16> -> vector<16xf32>
        %mul3A_604 = arith.constant 2.000000e-02 : f32
        %mul3A_605 = vector.broadcast %mul3A_604 : f32 to vector<16xf32>
        %mul3A_606 = arith.mulf %unpack3A_602, %mul3A_605 : vector<16xf32>
        %add3A_607 = arith.addi %mul3A_373, %add3A_515 : i32
        %swap3A_608 = arith.index_cast %add3A_607 : i32 to index
        %swap3A_609 = arith.constant 64 : index
        %swap3A_610 = tpu.vector_load %arg13[%swap3A_608, %swap3A_609] {strides = array<i32>} : memref<64x96xf32, #tpu.memory_space<vmem>>, vector<16xf32>,
        tpu.vector_store %arg13[%swap3A_608, %swap3A_609], %mul3A_606 {strides = array<i32>} : memref<64x96xf32, #tpu.memory_space<vmem>>, vector<16xf32>,
        %mul3A_611 = arith.constant 2.000000e-02 : f32
        %mul3A_612 = vector.broadcast %mul3A_611 : f32 to vector<16xf32>
        %mul3A_613 = arith.mulf %unpack3A_603, %mul3A_612 : vector<16xf32>
        %add3A_614 = arith.addi %mul3A_373, %add3A_515 : i32
        %swap3A_615 = arith.index_cast %add3A_614 : i32 to index
        %swap3A_616 = arith.constant 80 : index
        %swap3A_617 = tpu.vector_load %arg13[%swap3A_615, %swap3A_616] {strides = array<i32>} : memref<64x96xf32, #tpu.memory_space<vmem>>, vector<16xf32>,
        tpu.vector_store %arg13[%swap3A_615, %swap3A_616], %mul3A_613 {strides = array<i32>} : memref<64x96xf32, #tpu.memory_space<vmem>>, vector<16xf32>,
      }
      %scan3A_441 = arith.constant 32 : i32
      %dma_wait3A_442 = arith.constant 0 : i32
      %dma_wait3A_443 = tpu.memref_slice %arg15[%mul3A_373, %dma_wait3A_442] : memref<64x64xf32, #tpu.memory_space<vmem>> -> memref<32x64xf32, #tpu.memory_space<vmem>>
      %dma_wait3A_444 = tpu.memref_slice %arg14[%mul3A_373] : memref<64xi32, #tpu.memory_space<vmem>> -> memref<32xi32, #tpu.memory_space<vmem>>
      %dma_wait3A_445 = arith.constant 0 : i32
      %dma_wait3A_446 = arith.constant 0 : i32
      %dma_wait3A_447 = tpu.memref_slice %arg6[%dma_wait3A_445, %dma_wait3A_446] : memref<1000x64xf32, #tpu.memory_space<hbm>> -> memref<1000x64xf32, #tpu.memory_space<hbm>>
      tpu.wait_indirect_dma semaphore(%arg24 : memref<!tpu.dma_semaphore, #tpu.memory_space<semaphore_mem>>) src(%dma_wait3A_447 : memref<1000x64xf32, #tpu.memory_space<hbm>>) dst(%dma_wait3A_443 : memref<32x64xf32, #tpu.memory_space<vmem>>)
      %dma_wait3A_448 = arith.constant 0 : i32
      %dma_wait3A_449 = tpu.memref_slice %arg19[%mul3A_373, %dma_wait3A_448] : memref<64x128xf32, #tpu.memory_space<vmem>> -> memref<32x128xf32, #tpu.memory_space<vmem>>
      %dma_wait3A_450 = tpu.memref_slice %arg17[%mul3A_373] : memref<64xi32, #tpu.memory_space<vmem>> -> memref<32xi32, #tpu.memory_space<vmem>>
      %dma_wait3A_451 = arith.constant 0 : i32
      %dma_wait3A_452 = arith.constant 0 : i32
      %dma_wait3A_453 = tpu.memref_slice %arg7[%dma_wait3A_451, %dma_wait3A_452] : memref<100000x128xf32, #tpu.memory_space<hbm>> -> memref<100000x128xf32, #tpu.memory_space<hbm>>
      tpu.wait_indirect_dma semaphore(%arg24 : memref<!tpu.dma_semaphore, #tpu.memory_space<semaphore_mem>>) src(%dma_wait3A_453 : memref<100000x128xf32, #tpu.memory_space<hbm>>) dst(%dma_wait3A_449 : memref<32x128xf32, #tpu.memory_space<vmem>>)
      %dma_wait3A_454 = arith.constant 0 : i32
      %dma_wait3A_455 = tpu.memref_slice %arg20[%mul3A_373, %dma_wait3A_454] : memref<64x128xf32, #tpu.memory_space<vmem>> -> memref<32x128xf32, #tpu.memory_space<vmem>>
      %dma_wait3A_456 = tpu.memref_slice %arg18[%mul3A_373] : memref<64xi32, #tpu.memory_space<vmem>> -> memref<32xi32, #tpu.memory_space<vmem>>
      %dma_wait3A_457 = arith.constant 0 : i32
      %dma_wait3A_458 = arith.constant 0 : i32
      %dma_wait3A_459 = tpu.memref_slice %arg7[%dma_wait3A_457, %dma_wait3A_458] : memref<100000x128xf32, #tpu.memory_space<hbm>> -> memref<100000x128xf32, #tpu.memory_space<hbm>>
      tpu.wait_indirect_dma semaphore(%arg24 : memref<!tpu.dma_semaphore, #tpu.memory_space<semaphore_mem>>) src(%dma_wait3A_459 : memref<100000x128xf32, #tpu.memory_space<hbm>>) dst(%dma_wait3A_455 : memref<32x128xf32, #tpu.memory_space<vmem>>)
      %dma_wait3A_460 = arith.constant 0 : i32
      %dma_wait3A_461 = tpu.memref_slice %arg22[%mul3A_373, %dma_wait3A_460] : memref<64x32xf32, #tpu.memory_space<vmem>> -> memref<32x32xf32, #tpu.memory_space<vmem>>
      %dma_wait3A_462 = tpu.memref_slice %arg21[%mul3A_373] : memref<64xi32, #tpu.memory_space<vmem>> -> memref<32xi32, #tpu.memory_space<vmem>>
      %dma_wait3A_463 = arith.constant 0 : i32
      %dma_wait3A_464 = arith.constant 0 : i32
      %dma_wait3A_465 = tpu.memref_slice %arg9[%dma_wait3A_463, %dma_wait3A_464] : memref<1000x32xf32, #tpu.memory_space<hbm>> -> memref<1000x32xf32, #tpu.memory_space<hbm>>
      tpu.wait_indirect_dma semaphore(%arg24 : memref<!tpu.dma_semaphore, #tpu.memory_space<semaphore_mem>>) src(%dma_wait3A_465 : memref<1000x32xf32, #tpu.memory_space<hbm>>) dst(%dma_wait3A_461 : memref<32x32xf32, #tpu.memory_space<vmem>>)
      %mul3A_466 = arith.constant 32 : i32
      %mul3A_467 = arith.muli %add3A_164, %mul3A_466 : i32
      %add3A_468 = arith.addi %mul3A_2, %mul3A_467 : i32
      %mul3A_469 = arith.constant 32 : i32
      %mul3A_470 = arith.muli %rem3A_166, %mul3A_469 : i32
      %dma_start3A_471 = arith.constant 0 : i32
      %dma_start3A_472 = tpu.memref_slice %arg15[%mul3A_470, %dma_start3A_471] : memref<64x64xf32, #tpu.memory_space<vmem>> -> memref<32x64xf32, #tpu.memory_space<vmem>>
      %dma_start3A_473 = arith.constant 0 : i32
      %dma_start3A_474 = tpu.memref_slice %arg10[%add3A_468, %dma_start3A_473] : memref<16384x448xf32, #tpu.memory_space<hbm>> -> memref<32x64xf32, #tpu.memory_space<hbm>>
      %dma_start3A_475 = arith.constant 0 : i32
      %dma_start3A_476 = tpu.memref_slice %arg10[%add3A_468, %dma_start3A_475] : memref<16384x448xf32, #tpu.memory_space<hbm>> -> memref<32x64xf32, #tpu.memory_space<hbm>>
      %dma_start3A_477 = arith.constant 0 : i32
      %dma_start3A_478 = tpu.memref_slice %arg15[%mul3A_470, %dma_start3A_477] : memref<64x64xf32, #tpu.memory_space<vmem>> -> memref<32x64xf32, #tpu.memory_space<vmem>>
      tpu.enqueue_dma source(%dma_start3A_478 : memref<32x64xf32, #tpu.memory_space<vmem>>) target(%dma_start3A_476 : memref<32x64xf32, #tpu.memory_space<hbm>>) target_semaphore(%arg25 : memref<!tpu.dma_semaphore, #tpu.memory_space<semaphore_mem>>)
      %dma_start3A_479 = arith.constant 0 : i32
      %dma_start3A_480 = tpu.memref_slice %arg19[%mul3A_470, %dma_start3A_479] : memref<64x128xf32, #tpu.memory_space<vmem>> -> memref<32x128xf32, #tpu.memory_space<vmem>>
      %dma_start3A_481 = arith.constant 64 : i32
      %dma_start3A_482 = tpu.memref_slice %arg10[%add3A_468, %dma_start3A_481] : memref<16384x448xf32, #tpu.memory_space<hbm>> -> memref<32x128xf32, #tpu.memory_space<hbm>>
      %dma_start3A_483 = arith.constant 64 : i32
      %dma_start3A_484 = tpu.memref_slice %arg10[%add3A_468, %dma_start3A_483] : memref<16384x448xf32, #tpu.memory_space<hbm>> -> memref<32x128xf32, #tpu.memory_space<hbm>>
      %dma_start3A_485 = arith.constant 0 : i32
      %dma_start3A_486 = tpu.memref_slice %arg19[%mul3A_470, %dma_start3A_485] : memref<64x128xf32, #tpu.memory_space<vmem>> -> memref<32x128xf32, #tpu.memory_space<vmem>>
      tpu.enqueue_dma source(%dma_start3A_486 : memref<32x128xf32, #tpu.memory_space<vmem>>) target(%dma_start3A_484 : memref<32x128xf32, #tpu.memory_space<hbm>>) target_semaphore(%arg25 : memref<!tpu.dma_semaphore, #tpu.memory_space<semaphore_mem>>)
      %dma_start3A_487 = arith.constant 0 : i32
      %dma_start3A_488 = tpu.memref_slice %arg20[%mul3A_470, %dma_start3A_487] : memref<64x128xf32, #tpu.memory_space<vmem>> -> memref<32x128xf32, #tpu.memory_space<vmem>>
      %dma_start3A_489 = arith.constant 192 : i32
      %dma_start3A_490 = tpu.memref_slice %arg10[%add3A_468, %dma_start3A_489] : memref<16384x448xf32, #tpu.memory_space<hbm>> -> memref<32x128xf32, #tpu.memory_space<hbm>>
      %dma_start3A_491 = arith.constant 192 : i32
      %dma_start3A_492 = tpu.memref_slice %arg10[%add3A_468, %dma_start3A_491] : memref<16384x448xf32, #tpu.memory_space<hbm>> -> memref<32x128xf32, #tpu.memory_space<hbm>>
      %dma_start3A_493 = arith.constant 0 : i32
      %dma_start3A_494 = tpu.memref_slice %arg20[%mul3A_470, %dma_start3A_493] : memref<64x128xf32, #tpu.memory_space<vmem>> -> memref<32x128xf32, #tpu.memory_space<vmem>>
      tpu.enqueue_dma source(%dma_start3A_494 : memref<32x128xf32, #tpu.memory_space<vmem>>) target(%dma_start3A_492 : memref<32x128xf32, #tpu.memory_space<hbm>>) target_semaphore(%arg25 : memref<!tpu.dma_semaphore, #tpu.memory_space<semaphore_mem>>)
      %dma_start3A_495 = arith.constant 0 : i32
      %dma_start3A_496 = tpu.memref_slice %arg13[%mul3A_470, %dma_start3A_495] : memref<64x96xf32, #tpu.memory_space<vmem>> -> memref<32x96xf32, #tpu.memory_space<vmem>>
      %dma_start3A_497 = arith.constant 320 : i32
      %dma_start3A_498 = tpu.memref_slice %arg10[%add3A_468, %dma_start3A_497] : memref<16384x448xf32, #tpu.memory_space<hbm>> -> memref<32x96xf32, #tpu.memory_space<hbm>>
      %dma_start3A_499 = arith.constant 320 : i32
      %dma_start3A_500 = tpu.memref_slice %arg10[%add3A_468, %dma_start3A_499] : memref<16384x448xf32, #tpu.memory_space<hbm>> -> memref<32x96xf32, #tpu.memory_space<hbm>>
      %dma_start3A_501 = arith.constant 0 : i32
      %dma_start3A_502 = tpu.memref_slice %arg13[%mul3A_470, %dma_start3A_501] : memref<64x96xf32, #tpu.memory_space<vmem>> -> memref<32x96xf32, #tpu.memory_space<vmem>>
      tpu.enqueue_dma source(%dma_start3A_502 : memref<32x96xf32, #tpu.memory_space<vmem>>) target(%dma_start3A_500 : memref<32x96xf32, #tpu.memory_space<hbm>>) target_semaphore(%arg25 : memref<!tpu.dma_semaphore, #tpu.memory_space<semaphore_mem>>)
      %dma_start3A_503 = arith.constant 0 : i32
      %dma_start3A_504 = tpu.memref_slice %arg22[%mul3A_470, %dma_start3A_503] : memref<64x32xf32, #tpu.memory_space<vmem>> -> memref<32x32xf32, #tpu.memory_space<vmem>>
      %dma_start3A_505 = arith.constant 416 : i32
      %dma_start3A_506 = tpu.memref_slice %arg10[%add3A_468, %dma_start3A_505] : memref<16384x448xf32, #tpu.memory_space<hbm>> -> memref<32x32xf32, #tpu.memory_space<hbm>>
      %dma_start3A_507 = arith.constant 416 : i32
      %dma_start3A_508 = tpu.memref_slice %arg10[%add3A_468, %dma_start3A_507] : memref<16384x448xf32, #tpu.memory_space<hbm>> -> memref<32x32xf32, #tpu.memory_space<hbm>>
      %dma_start3A_509 = arith.constant 0 : i32
      %dma_start3A_510 = tpu.memref_slice %arg22[%mul3A_470, %dma_start3A_509] : memref<64x32xf32, #tpu.memory_space<vmem>> -> memref<32x32xf32, #tpu.memory_space<vmem>>
      tpu.enqueue_dma source(%dma_start3A_510 : memref<32x32xf32, #tpu.memory_space<vmem>>) target(%dma_start3A_508 : memref<32x32xf32, #tpu.memory_space<hbm>>) target_semaphore(%arg25 : memref<!tpu.dma_semaphore, #tpu.memory_space<semaphore_mem>>)
    }
    %scan3A_35 = arith.constant 16 : i32
    %dma_wait3A = arith.constant 0 : i32
    %dma_wait3A_36 = tpu.memref_slice %arg14[%dma_wait3A] : memref<64xi32, #tpu.memory_space<vmem>> -> memref<32xi32, #tpu.memory_space<vmem>>
    %dma_wait3A_37 = arith.constant 0 : i32
    %dma_wait3A_38 = tpu.memref_slice %arg2[%dma_wait3A_37] : memref<16384xi32, #tpu.memory_space<hbm>> -> memref<32xi32, #tpu.memory_space<hbm>>
    %dma_wait3A_39 = arith.constant 0 : i32
    %dma_wait3A_40 = tpu.memref_slice %arg14[%dma_wait3A_39] : memref<64xi32, #tpu.memory_space<vmem>> -> memref<32xi32, #tpu.memory_space<vmem>>
    %dma_wait3A_41 = arith.constant 0 : i32
    %dma_wait3A_42 = tpu.memref_slice %arg2[%dma_wait3A_41] : memref<16384xi32, #tpu.memory_space<hbm>> -> memref<32xi32, #tpu.memory_space<hbm>>
    tpu.wait_dma2 semaphore(%arg23 : memref<!tpu.dma_semaphore, #tpu.memory_space<semaphore_mem>>) src(%dma_wait3A_42 : memref<32xi32, #tpu.memory_space<hbm>>) dst(%dma_wait3A_40 : memref<32xi32, #tpu.memory_space<vmem>>)
    %dma_wait3A_43 = arith.constant 0 : i32
    %dma_wait3A_44 = tpu.memref_slice %arg16[%dma_wait3A_43] : memref<128xi32, #tpu.memory_space<vmem>> -> memref<64xi32, #tpu.memory_space<vmem>>
    %dma_wait3A_45 = arith.constant 0 : i32
    %dma_wait3A_46 = tpu.memref_slice %arg3[%dma_wait3A_45] : memref<32768xi32, #tpu.memory_space<hbm>> -> memref<64xi32, #tpu.memory_space<hbm>>
    %dma_wait3A_47 = arith.constant 0 : i32
    %dma_wait3A_48 = tpu.memref_slice %arg16[%dma_wait3A_47] : memref<128xi32, #tpu.memory_space<vmem>> -> memref<64xi32, #tpu.memory_space<vmem>>
    %dma_wait3A_49 = arith.constant 0 : i32
    %dma_wait3A_50 = tpu.memref_slice %arg3[%dma_wait3A_49] : memref<32768xi32, #tpu.memory_space<hbm>> -> memref<64xi32, #tpu.memory_space<hbm>>
    tpu.wait_dma2 semaphore(%arg23 : memref<!tpu.dma_semaphore, #tpu.memory_space<semaphore_mem>>) src(%dma_wait3A_50 : memref<64xi32, #tpu.memory_space<hbm>>) dst(%dma_wait3A_48 : memref<64xi32, #tpu.memory_space<vmem>>)
    %dma_wait3A_51 = arith.constant 0 : i32
    %dma_wait3A_52 = tpu.memref_slice %arg21[%dma_wait3A_51] : memref<64xi32, #tpu.memory_space<vmem>> -> memref<32xi32, #tpu.memory_space<vmem>>
    %dma_wait3A_53 = arith.constant 0 : i32
    %dma_wait3A_54 = tpu.memref_slice %arg5[%dma_wait3A_53] : memref<16384xi32, #tpu.memory_space<hbm>> -> memref<32xi32, #tpu.memory_space<hbm>>
    %dma_wait3A_55 = arith.constant 0 : i32
    %dma_wait3A_56 = tpu.memref_slice %arg21[%dma_wait3A_55] : memref<64xi32, #tpu.memory_space<vmem>> -> memref<32xi32, #tpu.memory_space<vmem>>
    %dma_wait3A_57 = arith.constant 0 : i32
    %dma_wait3A_58 = tpu.memref_slice %arg5[%dma_wait3A_57] : memref<16384xi32, #tpu.memory_space<hbm>> -> memref<32xi32, #tpu.memory_space<hbm>>
    tpu.wait_dma2 semaphore(%arg23 : memref<!tpu.dma_semaphore, #tpu.memory_space<semaphore_mem>>) src(%dma_wait3A_58 : memref<32xi32, #tpu.memory_space<hbm>>) dst(%dma_wait3A_56 : memref<32xi32, #tpu.memory_space<vmem>>)
    %dma_wait3A_59 = arith.constant 0 : i32
    %dma_wait3A_60 = tpu.memref_slice %arg12[%dma_wait3A_59] : memref<3232xi32, #tpu.memory_space<vmem>> -> memref<1600xi32, #tpu.memory_space<vmem>>
    %dma_wait3A_61 = arith.constant 0 : i32
    %dma_wait3A_62 = tpu.memref_slice %arg4[%dma_wait3A_61] : memref<819200xi32, #tpu.memory_space<hbm>> -> memref<1600xi32, #tpu.memory_space<hbm>>
    %dma_wait3A_63 = arith.constant 0 : i32
    %dma_wait3A_64 = tpu.memref_slice %arg12[%dma_wait3A_63] : memref<3232xi32, #tpu.memory_space<vmem>> -> memref<1600xi32, #tpu.memory_space<vmem>>
    %dma_wait3A_65 = arith.constant 0 : i32
    %dma_wait3A_66 = tpu.memref_slice %arg4[%dma_wait3A_65] : memref<819200xi32, #tpu.memory_space<hbm>> -> memref<1600xi32, #tpu.memory_space<hbm>>
    tpu.wait_dma2 semaphore(%arg23 : memref<!tpu.dma_semaphore, #tpu.memory_space<semaphore_mem>>) src(%dma_wait3A_66 : memref<1600xi32, #tpu.memory_space<hbm>>) dst(%dma_wait3A_64 : memref<1600xi32, #tpu.memory_space<vmem>>)
    %rem3A = arith.constant 14 : i32
    %rem3A_67 = arith.constant 2 : i32
    %rem3A_68 = arith.remsi %rem3A, %rem3A_67 : i32
    %add3A_69 = arith.constant 448 : i32
    %add3A_70 = arith.addi %mul3A_2, %add3A_69 : i32
    %mul3A_71 = arith.constant 32 : i32
    %mul3A_72 = arith.muli %rem3A_68, %mul3A_71 : i32
    %dma_wait3A_73 = arith.constant 0 : i32
    %dma_wait3A_74 = tpu.memref_slice %arg15[%mul3A_72, %dma_wait3A_73] : memref<64x64xf32, #tpu.memory_space<vmem>> -> memref<32x64xf32, #tpu.memory_space<vmem>>
    %dma_wait3A_75 = arith.constant 0 : i32
    %dma_wait3A_76 = tpu.memref_slice %arg10[%add3A_70, %dma_wait3A_75] : memref<16384x448xf32, #tpu.memory_space<hbm>> -> memref<32x64xf32, #tpu.memory_space<hbm>>
    %dma_wait3A_77 = arith.constant 0 : i32
    %dma_wait3A_78 = tpu.memref_slice %arg10[%add3A_70, %dma_wait3A_77] : memref<16384x448xf32, #tpu.memory_space<hbm>> -> memref<32x64xf32, #tpu.memory_space<hbm>>
    %dma_wait3A_79 = arith.constant 0 : i32
    %dma_wait3A_80 = tpu.memref_slice %arg15[%mul3A_72, %dma_wait3A_79] : memref<64x64xf32, #tpu.memory_space<vmem>> -> memref<32x64xf32, #tpu.memory_space<vmem>>
    tpu.wait_dma2 semaphore(%arg25 : memref<!tpu.dma_semaphore, #tpu.memory_space<semaphore_mem>>) src(%dma_wait3A_80 : memref<32x64xf32, #tpu.memory_space<vmem>>) dst(%dma_wait3A_78 : memref<32x64xf32, #tpu.memory_space<hbm>>)
    %dma_wait3A_81 = arith.constant 0 : i32
    %dma_wait3A_82 = tpu.memref_slice %arg19[%mul3A_72, %dma_wait3A_81] : memref<64x128xf32, #tpu.memory_space<vmem>> -> memref<32x128xf32, #tpu.memory_space<vmem>>
    %dma_wait3A_83 = arith.constant 64 : i32
    %dma_wait3A_84 = tpu.memref_slice %arg10[%add3A_70, %dma_wait3A_83] : memref<16384x448xf32, #tpu.memory_space<hbm>> -> memref<32x128xf32, #tpu.memory_space<hbm>>
    %dma_wait3A_85 = arith.constant 64 : i32
    %dma_wait3A_86 = tpu.memref_slice %arg10[%add3A_70, %dma_wait3A_85] : memref<16384x448xf32, #tpu.memory_space<hbm>> -> memref<32x128xf32, #tpu.memory_space<hbm>>
    %dma_wait3A_87 = arith.constant 0 : i32
    %dma_wait3A_88 = tpu.memref_slice %arg19[%mul3A_72, %dma_wait3A_87] : memref<64x128xf32, #tpu.memory_space<vmem>> -> memref<32x128xf32, #tpu.memory_space<vmem>>
    tpu.wait_dma2 semaphore(%arg25 : memref<!tpu.dma_semaphore, #tpu.memory_space<semaphore_mem>>) src(%dma_wait3A_88 : memref<32x128xf32, #tpu.memory_space<vmem>>) dst(%dma_wait3A_86 : memref<32x128xf32, #tpu.memory_space<hbm>>)
    %dma_wait3A_89 = arith.constant 0 : i32
    %dma_wait3A_90 = tpu.memref_slice %arg20[%mul3A_72, %dma_wait3A_89] : memref<64x128xf32, #tpu.memory_space<vmem>> -> memref<32x128xf32, #tpu.memory_space<vmem>>
    %dma_wait3A_91 = arith.constant 192 : i32
    %dma_wait3A_92 = tpu.memref_slice %arg10[%add3A_70, %dma_wait3A_91] : memref<16384x448xf32, #tpu.memory_space<hbm>> -> memref<32x128xf32, #tpu.memory_space<hbm>>
    %dma_wait3A_93 = arith.constant 192 : i32
    %dma_wait3A_94 = tpu.memref_slice %arg10[%add3A_70, %dma_wait3A_93] : memref<16384x448xf32, #tpu.memory_space<hbm>> -> memref<32x128xf32, #tpu.memory_space<hbm>>
    %dma_wait3A_95 = arith.constant 0 : i32
    %dma_wait3A_96 = tpu.memref_slice %arg20[%mul3A_72, %dma_wait3A_95] : memref<64x128xf32, #tpu.memory_space<vmem>> -> memref<32x128xf32, #tpu.memory_space<vmem>>
    tpu.wait_dma2 semaphore(%arg25 : memref<!tpu.dma_semaphore, #tpu.memory_space<semaphore_mem>>) src(%dma_wait3A_96 : memref<32x128xf32, #tpu.memory_space<vmem>>) dst(%dma_wait3A_94 : memref<32x128xf32, #tpu.memory_space<hbm>>)
    %dma_wait3A_97 = arith.constant 0 : i32
    %dma_wait3A_98 = tpu.memref_slice %arg13[%mul3A_72, %dma_wait3A_97] : memref<64x96xf32, #tpu.memory_space<vmem>> -> memref<32x96xf32, #tpu.memory_space<vmem>>
    %dma_wait3A_99 = arith.constant 320 : i32
    %dma_wait3A_100 = tpu.memref_slice %arg10[%add3A_70, %dma_wait3A_99] : memref<16384x448xf32, #tpu.memory_space<hbm>> -> memref<32x96xf32, #tpu.memory_space<hbm>>
    %dma_wait3A_101 = arith.constant 320 : i32
    %dma_wait3A_102 = tpu.memref_slice %arg10[%add3A_70, %dma_wait3A_101] : memref<16384x448xf32, #tpu.memory_space<hbm>> -> memref<32x96xf32, #tpu.memory_space<hbm>>
    %dma_wait3A_103 = arith.constant 0 : i32
    %dma_wait3A_104 = tpu.memref_slice %arg13[%mul3A_72, %dma_wait3A_103] : memref<64x96xf32, #tpu.memory_space<vmem>> -> memref<32x96xf32, #tpu.memory_space<vmem>>
    tpu.wait_dma2 semaphore(%arg25 : memref<!tpu.dma_semaphore, #tpu.memory_space<semaphore_mem>>) src(%dma_wait3A_104 : memref<32x96xf32, #tpu.memory_space<vmem>>) dst(%dma_wait3A_102 : memref<32x96xf32, #tpu.memory_space<hbm>>)
    %dma_wait3A_105 = arith.constant 0 : i32
    %dma_wait3A_106 = tpu.memref_slice %arg22[%mul3A_72, %dma_wait3A_105] : memref<64x32xf32, #tpu.memory_space<vmem>> -> memref<32x32xf32, #tpu.memory_space<vmem>>
    %dma_wait3A_107 = arith.constant 416 : i32
    %dma_wait3A_108 = tpu.memref_slice %arg10[%add3A_70, %dma_wait3A_107] : memref<16384x448xf32, #tpu.memory_space<hbm>> -> memref<32x32xf32, #tpu.memory_space<hbm>>
    %dma_wait3A_109 = arith.constant 416 : i32
    %dma_wait3A_110 = tpu.memref_slice %arg10[%add3A_70, %dma_wait3A_109] : memref<16384x448xf32, #tpu.memory_space<hbm>> -> memref<32x32xf32, #tpu.memory_space<hbm>>
    %dma_wait3A_111 = arith.constant 0 : i32
    %dma_wait3A_112 = tpu.memref_slice %arg22[%mul3A_72, %dma_wait3A_111] : memref<64x32xf32, #tpu.memory_space<vmem>> -> memref<32x32xf32, #tpu.memory_space<vmem>>
    tpu.wait_dma2 semaphore(%arg25 : memref<!tpu.dma_semaphore, #tpu.memory_space<semaphore_mem>>) src(%dma_wait3A_112 : memref<32x32xf32, #tpu.memory_space<vmem>>) dst(%dma_wait3A_110 : memref<32x32xf32, #tpu.memory_space<hbm>>)
    %rem3A_113 = arith.constant 15 : i32
    %rem3A_114 = arith.constant 2 : i32
    %rem3A_115 = arith.remsi %rem3A_113, %rem3A_114 : i32
    %add3A_116 = arith.constant 480 : i32
    %add3A_117 = arith.addi %mul3A_2, %add3A_116 : i32
    %mul3A_118 = arith.constant 32 : i32
    %mul3A_119 = arith.muli %rem3A_115, %mul3A_118 : i32
    %dma_wait3A_120 = arith.constant 0 : i32
    %dma_wait3A_121 = tpu.memref_slice %arg15[%mul3A_119, %dma_wait3A_120] : memref<64x64xf32, #tpu.memory_space<vmem>> -> memref<32x64xf32, #tpu.memory_space<vmem>>
    %dma_wait3A_122 = arith.constant 0 : i32
    %dma_wait3A_123 = tpu.memref_slice %arg10[%add3A_117, %dma_wait3A_122] : memref<16384x448xf32, #tpu.memory_space<hbm>> -> memref<32x64xf32, #tpu.memory_space<hbm>>
    %dma_wait3A_124 = arith.constant 0 : i32
    %dma_wait3A_125 = tpu.memref_slice %arg10[%add3A_117, %dma_wait3A_124] : memref<16384x448xf32, #tpu.memory_space<hbm>> -> memref<32x64xf32, #tpu.memory_space<hbm>>
    %dma_wait3A_126 = arith.constant 0 : i32
    %dma_wait3A_127 = tpu.memref_slice %arg15[%mul3A_119, %dma_wait3A_126] : memref<64x64xf32, #tpu.memory_space<vmem>> -> memref<32x64xf32, #tpu.memory_space<vmem>>
    tpu.wait_dma2 semaphore(%arg25 : memref<!tpu.dma_semaphore, #tpu.memory_space<semaphore_mem>>) src(%dma_wait3A_127 : memref<32x64xf32, #tpu.memory_space<vmem>>) dst(%dma_wait3A_125 : memref<32x64xf32, #tpu.memory_space<hbm>>)
    %dma_wait3A_128 = arith.constant 0 : i32
    %dma_wait3A_129 = tpu.memref_slice %arg19[%mul3A_119, %dma_wait3A_128] : memref<64x128xf32, #tpu.memory_space<vmem>> -> memref<32x128xf32, #tpu.memory_space<vmem>>
    %dma_wait3A_130 = arith.constant 64 : i32
    %dma_wait3A_131 = tpu.memref_slice %arg10[%add3A_117, %dma_wait3A_130] : memref<16384x448xf32, #tpu.memory_space<hbm>> -> memref<32x128xf32, #tpu.memory_space<hbm>>
    %dma_wait3A_132 = arith.constant 64 : i32
    %dma_wait3A_133 = tpu.memref_slice %arg10[%add3A_117, %dma_wait3A_132] : memref<16384x448xf32, #tpu.memory_space<hbm>> -> memref<32x128xf32, #tpu.memory_space<hbm>>
    %dma_wait3A_134 = arith.constant 0 : i32
    %dma_wait3A_135 = tpu.memref_slice %arg19[%mul3A_119, %dma_wait3A_134] : memref<64x128xf32, #tpu.memory_space<vmem>> -> memref<32x128xf32, #tpu.memory_space<vmem>>
    tpu.wait_dma2 semaphore(%arg25 : memref<!tpu.dma_semaphore, #tpu.memory_space<semaphore_mem>>) src(%dma_wait3A_135 : memref<32x128xf32, #tpu.memory_space<vmem>>) dst(%dma_wait3A_133 : memref<32x128xf32, #tpu.memory_space<hbm>>)
    %dma_wait3A_136 = arith.constant 0 : i32
    %dma_wait3A_137 = tpu.memref_slice %arg20[%mul3A_119, %dma_wait3A_136] : memref<64x128xf32, #tpu.memory_space<vmem>> -> memref<32x128xf32, #tpu.memory_space<vmem>>
    %dma_wait3A_138 = arith.constant 192 : i32
    %dma_wait3A_139 = tpu.memref_slice %arg10[%add3A_117, %dma_wait3A_138] : memref<16384x448xf32, #tpu.memory_space<hbm>> -> memref<32x128xf32, #tpu.memory_space<hbm>>
    %dma_wait3A_140 = arith.constant 192 : i32
    %dma_wait3A_141 = tpu.memref_slice %arg10[%add3A_117, %dma_wait3A_140] : memref<16384x448xf32, #tpu.memory_space<hbm>> -> memref<32x128xf32, #tpu.memory_space<hbm>>
    %dma_wait3A_142 = arith.constant 0 : i32
    %dma_wait3A_143 = tpu.memref_slice %arg20[%mul3A_119, %dma_wait3A_142] : memref<64x128xf32, #tpu.memory_space<vmem>> -> memref<32x128xf32, #tpu.memory_space<vmem>>
    tpu.wait_dma2 semaphore(%arg25 : memref<!tpu.dma_semaphore, #tpu.memory_space<semaphore_mem>>) src(%dma_wait3A_143 : memref<32x128xf32, #tpu.memory_space<vmem>>) dst(%dma_wait3A_141 : memref<32x128xf32, #tpu.memory_space<hbm>>)
    %dma_wait3A_144 = arith.constant 0 : i32
    %dma_wait3A_145 = tpu.memref_slice %arg13[%mul3A_119, %dma_wait3A_144] : memref<64x96xf32, #tpu.memory_space<vmem>> -> memref<32x96xf32, #tpu.memory_space<vmem>>
    %dma_wait3A_146 = arith.constant 320 : i32
    %dma_wait3A_147 = tpu.memref_slice %arg10[%add3A_117, %dma_wait3A_146] : memref<16384x448xf32, #tpu.memory_space<hbm>> -> memref<32x96xf32, #tpu.memory_space<hbm>>
    %dma_wait3A_148 = arith.constant 320 : i32
    %dma_wait3A_149 = tpu.memref_slice %arg10[%add3A_117, %dma_wait3A_148] : memref<16384x448xf32, #tpu.memory_space<hbm>> -> memref<32x96xf32, #tpu.memory_space<hbm>>
    %dma_wait3A_150 = arith.constant 0 : i32
    %dma_wait3A_151 = tpu.memref_slice %arg13[%mul3A_119, %dma_wait3A_150] : memref<64x96xf32, #tpu.memory_space<vmem>> -> memref<32x96xf32, #tpu.memory_space<vmem>>
    tpu.wait_dma2 semaphore(%arg25 : memref<!tpu.dma_semaphore, #tpu.memory_space<semaphore_mem>>) src(%dma_wait3A_151 : memref<32x96xf32, #tpu.memory_space<vmem>>) dst(%dma_wait3A_149 : memref<32x96xf32, #tpu.memory_space<hbm>>)
    %dma_wait3A_152 = arith.constant 0 : i32
    %dma_wait3A_153 = tpu.memref_slice %arg22[%mul3A_119, %dma_wait3A_152] : memref<64x32xf32, #tpu.memory_space<vmem>> -> memref<32x32xf32, #tpu.memory_space<vmem>>
    %dma_wait3A_154 = arith.constant 416 : i32
    %dma_wait3A_155 = tpu.memref_slice %arg10[%add3A_117, %dma_wait3A_154] : memref<16384x448xf32, #tpu.memory_space<hbm>> -> memref<32x32xf32, #tpu.memory_space<hbm>>
    %dma_wait3A_156 = arith.constant 416 : i32
    %dma_wait3A_157 = tpu.memref_slice %arg10[%add3A_117, %dma_wait3A_156] : memref<16384x448xf32, #tpu.memory_space<hbm>> -> memref<32x32xf32, #tpu.memory_space<hbm>>
    %dma_wait3A_158 = arith.constant 0 : i32
    %dma_wait3A_159 = tpu.memref_slice %arg22[%mul3A_119, %dma_wait3A_158] : memref<64x32xf32, #tpu.memory_space<vmem>> -> memref<32x32xf32, #tpu.memory_space<vmem>>
    tpu.wait_dma2 semaphore(%arg25 : memref<!tpu.dma_semaphore, #tpu.memory_space<semaphore_mem>>) src(%dma_wait3A_159 : memref<32x32xf32, #tpu.memory_space<vmem>>) dst(%dma_wait3A_157 : memref<32x32xf32, #tpu.memory_space<hbm>>)
    return
  }
}

</mosaic_0001>

<sc_bundles>
// kernel: _embed.3.cloned.1.call-start
scs
__scs_entry_jumppad:
0x0: {  	(pc) =	sbr.rel $0x88, $3  }
0x1: {  	(tag) =	ssettag $0x0;
	lr =	simm.s32 $0x1  }
0x2: {  	[smem:$0x3F99] =	sst lr;
	_ =	strace $0xD0000000  }
0x3: {  	_ = 	snop  }
0x4: {  	_ = 	snop  }
0x5: {  	_ = 	snop  }
0x6: {  	_ = 	snop  }
0x7: {  	_ = 	snop  }
__scs_overlays_trampoline_lowered:
0x8: {  	[smem:$0x3FA8] =	sst s0  }
0x9: {  	[smem:$0x3FA9] =	sst s1  }
0xa: {  	[smem:$0x3FAA] =	sst s2  }
0xb: {  	[smem:$0x3FAB] =	sst s3  }
0xc: {  	[smem:$0x3FAC] =	sst s4  }
0xd: {  	[smem:$0x3FAD] =	sst s5  }
0xe: {  	[smem:$0x3FAE] =	sst s6  }
0xf: {  	[smem:$0x3FAF] =	sst s7  }
0x10: {  	[smem:$0x3FB0] =	sst s8  }
0x11: {  	[smem:$0x3FB1] =	sst s9;
	s0 =	simm.s32 @!p0 $0x0  }
0x12: {  	s1 =	sld [smem:$0x3F97];
	s0 =	simm.s32 @p0 $0x1  }
0x13: {  	[smem:$0x3FB2] =	sst s0;
	s0 =	simm.s32 @!p1 $0x0  }
0x14: {  	s2 =	sld [smem:$0x3F96];
	s0 =	simm.s32 @p1 $0x1  }
0x15: {  	[smem:$0x3FB3] =	sst s0;
	s0 =	simm.s32 @!p2 $0x0  }
0x16: {  	s3 =	sld [smem:$0x3FDB];
	s0 =	simm.s32 @p2 $0x1  }
0x17: {  	s4 =	simm.s32 $0x1BF5;
	[smem:$0x3FB5] =	sst s0  }
0x18: {  	s0 =	sld [smem:$0x3F98];
	_ =	swait.ge [sflag:s4], $0x0  }
0x19: {  	s7 =	sld [smem:$0x3F99]  }
0x1a: {  	s8 =	sadd.s32 $0xFFFFE003, lr  }
0x1b: {  	s9 =	sadd.s32 $0xFFFFFEF7, lr;
	s5 =	simm.s32 $0xFFFFFFFF;
	p2 =	slt.u32 s8, $0xFFFFF086  }
0x1c: {  	p1 =	slt.u32 s9, $0xF7A;
	s5 =	simm.s32 @!p2 $0x0  }
0x1d: {  	s5 =	simm.s32 @p1 $0x1;
	p0 =	seq.s32 s7, s2  }
0x1e: {  	s7 =	smul.u32 @!p0 $0xF7A, s2;
	p2 =	seq.s32 @!p0 s5, $0x0  }
0x1f: {  	s9 =	smul.u32 $0xF7A, s1;
	s8 =	simm.s32 @!p0 $0x1BF5;
	p2 =	por !p2, p0  }
0x20: {  	[sflag:s8] =	ssyncset.s32 @!p0 $0xFFFFF086;
	s6 =	sadd.s32 @!p0 s3, s7;
	s7 =	simm.s32 @!p0 $0x108  }
0x21: {  	s3 =	sadd.s32 s3, s9;
	s6 =	sadd.s32 @!p0 $0x88, s6;
	s7 =	simm.s32 @p2 $0x1082  }
0x22: {  	[simem:s7], [sflag:s8] =	dma.local @!p0 [hbm:s6], $0xF7A  }
0x23: {  	s9 =	sor.u32 $0xD0000000, s2;
	s6 =	simm.s32 $0x108;
	_ =	swait.ge @!p0 [sflag:s8], $0x0  }
0x24: {  	s3 =	sadd.s32 $0x88, s3;
	s6 =	simm.s32 @!p1 $0x1082;
	[sflag:s4] =	ssyncset.s32 $0xFFFFF086  }
0x25: {  	[simem:s6], [sflag:s4] =	dma.local [hbm:s3], $0xF7A  }
0x26: {  	[smem:$0x3F99] =	sst s1;
	(tag) =	ssettag s2;
	_ =	strace s9  }
0x27: {  	s1 =	sld [smem:$0x3FA9]  }
0x28: {  	s2 =	sld [smem:$0x3FAA]  }
0x29: {  	s4 =	sld [smem:$0x3FAC]  }
0x2a: {  	p0 =	seq.s32 s5, $0x0;
	s5 =	sld [smem:$0x3FAD]  }
0x2b: {  	s6 =	sld [smem:$0x3FAE]  }
0x2c: {  	s7 =	sld [smem:$0x3FAF]  }
0x2d: {  	s3 =	simm.s32 $0x108;
	s8 =	sld [smem:$0x3FB0]  }
0x2e: {  	s3 =	simm.s32 @!p0 $0x1082;
	s9 =	sld [smem:$0x3FB1]  }
0x2f: {  	lr =	sadd.s32 s0, s3;
	s0 =	sld [smem:$0x3FA8]  }
0x30: {  	s3 =	sld [smem:$0x3FAB]  }
0x31: {  	[smem:$0x3FB4] =	sst s10  }
0x32: {  	s10 =	sld [smem:$0x3FB2];
	_ =	sdelay $0x3  }
0x33: {  	p0 =	seq.s32 s10, $0x1;
	s10 =	sld [smem:$0x3FB4];
	_ =	sdelay $0x3  }
0x34: {  	[smem:$0x3FB4] =	sst s10  }
0x35: {  	s10 =	sld [smem:$0x3FB3];
	_ =	sdelay $0x3  }
0x36: {  	p1 =	seq.s32 s10, $0x1;
	s10 =	sld [smem:$0x3FB4];
	_ =	sdelay $0x3  }
0x37: {  	[smem:$0x3FB4] =	sst s10  }
0x38: {  	s10 =	sld [smem:$0x3FB5]  }
0x39: {  	_ = 	snop;
	(pc) =	sbr.ind lr, $3  }
0x3a: {  	_ = 	snop  }
0x3b: {  	_ = 	snop  }
0x3c: {  	p2 =	seq.s32 s10, $0x1;
	s10 =	sld [smem:$0x3FB4]  }
0x3d: {  	_ =	shalt  }
0x3e: {  	_ =	shalt  }
0x3f: {  	_ =	shalt  }
0x40: {  	_ =	shalt  }
0x41: {  	_ =	shalt  }
0x42: {  	_ =	shalt  }
0x43: {  	_ =	shalt  }
0x44: {  	_ =	shalt  }
0x45: {  	_ =	shalt  }
0x46: {  	_ =	shalt  }
0x47: {  	_ =	shalt  }
0x48: {  	_ =	shalt  }
0x49: {  	_ =	shalt  }
0x4a: {  	_ =	shalt  }
0x4b: {  	_ =	shalt  }
0x4c: {  	_ =	shalt  }
0x4d: {  	_ =	shalt  }
0x4e: {  	_ =	shalt  }
0x4f: {  	_ =	shalt  }
0x50: {  	_ =	shalt  }
0x51: {  	_ =	shalt  }
0x52: {  	_ =	shalt  }
0x53: {  	_ =	shalt  }
0x54: {  	_ =	shalt  }
0x55: {  	_ =	shalt  }
0x56: {  	_ =	shalt  }
0x57: {  	_ =	shalt  }
0x58: {  	_ =	shalt  }
0x59: {  	_ =	shalt  }
0x5a: {  	_ =	shalt  }
0x5b: {  	_ =	shalt  }
0x5c: {  	_ =	shalt  }
0x5d: {  	_ =	shalt  }
0x5e: {  	_ =	shalt  }
0x5f: {  	_ =	shalt  }
0x60: {  	_ =	shalt  }
0x61: {  	_ =	shalt  }
0x62: {  	_ =	shalt  }
0x63: {  	_ =	shalt  }
0x64: {  	_ =	shalt  }
0x65: {  	_ =	shalt  }
0x66: {  	_ =	shalt  }
0x67: {  	_ =	shalt  }
0x68: {  	_ =	shalt  }
0x69: {  	_ =	shalt  }
0x6a: {  	_ =	shalt  }
0x6b: {  	_ =	shalt  }
0x6c: {  	_ =	shalt  }
0x6d: {  	_ =	shalt  }
0x6e: {  	_ =	shalt  }
0x6f: {  	_ =	shalt  }
0x70: {  	_ =	shalt  }
0x71: {  	_ =	shalt  }
0x72: {  	_ =	shalt  }
0x73: {  	_ =	shalt  }
0x74: {  	_ =	shalt  }
0x75: {  	_ =	shalt  }
0x76: {  	_ =	shalt  }
0x77: {  	_ =	shalt  }
0x78: {  	_ =	shalt  }
0x79: {  	_ =	shalt  }
0x7a: {  	_ =	shalt  }
0x7b: {  	_ =	shalt  }
0x7c: {  	_ =	shalt  }
0x7d: {  	_ =	shalt  }
0x7e: {  	_ =	shalt  }
0x7f: {  	_ =	shalt  }
0x80: {  	_ =	shalt  }
0x81: {  	_ =	shalt  }
0x82: {  	_ =	shalt  }
0x83: {  	_ =	shalt  }
0x84: {  	_ =	shalt  }
0x85: {  	_ =	shalt  }
0x86: {  	_ =	shalt  }
0x87: {  	_ =	shalt  }
.Lfunc_end0:
.L_simem_size_0:
called_computation_lowered:
.L_overlay_start_0:
0x88: {  	s2 =	sld [smem:$0x3FD9]  }
0x89: {  	s3 =	sld [smem:$0x3FFE];
	_ =	sdelay $0x1  }
0x8a: {  	s1 =	srdreg.scid  }
0x8b: {  	s0 =	sand.u32 $0x1, s1  }
0x8c: {  	s17 =	sshll.u32 s0, $0xA;
	s2 =	sadd.s32 s3, s2  }
0x8d: {  	s2 =	sadd.s32 s2, s17  }
0x8e: {  	[smem:$0x3FC0] =	sst s2  }
0x8f: {  	_ = 	snop  }
0x90: {  	s2 =	sld [smem:$0x3FC9]  }
0x91: {  	s18 =	sld [smem:$0x3FC8]  }
0x92: {  	s4 =	sld [smem:$0x3FC7]  }
0x93: {  	s5 =	sld [smem:$0x3FC6]  }
0x94: {  	s6 =	sld [smem:$0x3FC4]  }
0x95: {  	s7 =	sld [smem:$0x3FD0];
	(tm) =	ssettm $0x1  }
0x96: {  	s8 =	sld [smem:$0x3FFB];
	_ =	sdelay $0x3  }
0x97: {  	_ =	strace s8  }
0x98: {  	s8 =	sld [smem:$0x3FFC];
	_ =	sdelay $0x3  }
0x99: {  	_ =	strace s8  }
0x9a: {  	s8 =	sld [smem:$0x3FFD];
	_ =	sdelay $0x3  }
0x9b: {  	_ =	strace s8  }
0x9c: {  	_ =	strace $0x8FFFFFFF  }
0x9d: {  	s19 =	sld [smem:$0x3FDB];
	_ =	sdelay $0x1  }
0x9e: {  	s9 =	simm.s32 $_scs_section_size  }
0x9f: {  	s10 =	simm.s32 $_size__tile_overlayer_lowered;
	s11 =	simm.s32 $_tile_overlayer_lowered  }
0xa0: {  	s22 =	simm.s32 $0x1BFF;
	s21 =	sshll.u32 s11, $0x1;
	s8 =	sadd.s32 s9, s19  }
0xa1: {  	s12 =	simm.s32 $0x0;
	s20 =	sshll.u32 s10, $0x1;
	s10 =	sadd.s32 s21, s8  }
0xa2: {  	[timem:s12], [sflag:s22] =	dma.local [hbm:s10], s20  }
0xa3: {  	_ =	swait.ge [sflag:s22], s20  }
0xa4: {  	s9 =	ssub.s32 $0x0, s20;
	[sflag:s22] =	ssyncset.done $0x0  }
0xa5: {  	[sflag:s22] =	ssyncadd.s32 s9;
	_ =	sdelay $0x1  }
0xa6: {  	s23 =	simm.s32 $0x1B8B  }
0xa7: {  	_ =	swait.ge [sflag:s23], $0x1  }
0xa8: {  	[sflag:s23] =	ssyncset.done $0x0  }
0xa9: {  	s25 =	simm.s32 $0x1B8E;
	s24 =	sld [smem:$0x3FFE];
	[sflag:s23] =	ssyncadd.s32 $0xFFFFFFFF  }
0xaa: {  	s26 =	simm.s32 $execute0_lowered;
	[smem:$0x3FD2] =	sst s25  }
0xab: {  	s10 =	sshll.u32 s26, $0x1;
	_ =	strace $0x80000046;
	[dreg:$0x1] =	wrdreg $0xFFFFFFFF  }
0xac: {  	s28 =	simm.s32 $_size_execute0_lowered;
	s8 =	sadd.s32 s8, s10;
	[dreg:$0x0] =	wrdreg $0x0  }
0xad: {  	s10 =	sshll.u32 s28, $0x1;
	[dreg:$0x2] =	wrdreg s8  }
0xae: {  	[dreg:$0x3] =	wrdreg s10  }
0xaf: {  	[dreg:$0x4] =	wrdreg $0xC0  }
0xb0: {  	_ =	task [dreg:s12], $0x5FFFF  }
0xb1: {  	[dreg:$0x1] =	wrdreg $0xFFFFFFFF  }
0xb2: {  	[dreg:$0x0] =	wrdreg $0x60  }
0xb3: {  	[dreg:$0x2] =	wrdreg s2  }
0xb4: {  	[dreg:$0x3] =	wrdreg s18  }
0xb5: {  	[dreg:$0x4] =	wrdreg s4  }
0xb6: {  	[dreg:$0x5] =	wrdreg s5  }
0xb7: {  	[dreg:$0x6] =	wrdreg s24  }
0xb8: {  	[dreg:$0x7] =	wrdreg s6  }
0xb9: {  	[dreg:$0x8] =	wrdreg s7  }
0xba: {  	[dreg:$0x9] =	wrdreg $0x9  }
0xbb: {  	_ =	task.clear_ibuf [dreg:s12], $0xAFFFF;
	_ =	strace $0x90000046  }
0xbc: {  	s29 =	simm.s32 $0x9;
	_ =	strace $0x80000048  }
0xbd: {  	_ =	swait.ge [sflag:s29], $0x1  }
0xbe: {  	[sflag:s29] =	ssyncadd.s32 $0xFFFFFFFF  }
0xbf: {  	_ =	strace $0x90000048  }
0xc0: {  	_ =	sfence  }
0xc1: {  	s30 =	sld [smem:$0x0];
	_ =	sdelay $0x2  }
0xc2: {  	s31 =	sshll.u32 s1, $0xD;
	s1 =	sshrl.u32 s1, $0x2  }
0xc3: {  	s3 =	sand.u32 $0x4000, s31;
	s1 =	sadd.s32 s1, s30  }
0xc4: {  	s0 =	sor.u32 s3, s0;
	s1 =	sshll.u32 s1, $0x11  }
0xc5: {  	s0 =	sor.u32 s1, s0  }
0xc6: {  	s0 =	sadd.s32 $0x8F2B, s0  }
0xc7: {  	[sflag:s0] =	ssyncadd.remote.s32 $0x1  }
0xc8: {  	_ =	sfence.sel $0xFFFF  }
0xc9: {  	[dreg:$0x0] =	wrdreg $0xFFFFFFFF;
	(pc) =	sbr.abs _section_cstart, $3  }
0xca: {  	[dreg:$0x1] =	wrdreg $0xFFFFFFFF  }
0xcb: {  	_ =	task.clear_ibuf [dreg:s12], $0x2FFFF;
	_ =	strace $0x9FFFFFFF  }
0xcc: {  	(tm) =	ssettm $0x7FFFFFFF  }
0xcd: {  	_ =	shalt  }
tec
execute0_lowered:
.L_overlay_start_1:
0x0: {  	(tag) =	ssettag $0x1  }
0x1: {  	s5 =	rddreg [dreg:$0x0]  }
0x2: {  	s6 =	rddreg [dreg:$0x1]  }
0x3: {  	s7 =	rddreg [dreg:$0x2]  }
0x4: {  	s8 =	rddreg [dreg:$0x3]  }
0x5: {  	s0 =	rddreg [dreg:$0x4]  }
0x6: {  	s9 =	rddreg [dreg:$0x6];
	s1 =	simm.s32 $0x0  }
0x7: {  	s18 =	srdreg.scid;
	s4 =	stileid.u32;
	s28 =	simm.s32 $0x1  }
0x8: {  	s29 =	simm.s32 $0x20;
	s30 =	simm.s32 $0x2;
	[smem:$0x7FF] =	sst s1  }
0x9: {  	s1 =	sand.u32 $0x1, s18;
	s2 =	sadd.s32 $0x1C00, s0;
	s3 =	sadd.s32 $0x400, s0  }
0xa: {  	s4 =	sshll.u32 s4, $0x1;
	s11 =	sadd.s32 $0x3C00, s0;
	s17 =	sadd.s32 $0x8, s9  }
0xb: {  	s18 =	sadd.s32 $0x18, s9;
	_ =	strace $0x80000047;
	[dreg:$0x8] =	wrdreg s2  }
0xc: {  	s19 =	ssub.s32 $0x2, s1;
	[dreg:$0x9] =	wrdreg s3;
	s1 =	sor.u32 s1, s4  }
0xd: {  	s3 =	simm.s32 $0x0;
	s20 =	sshrl.u32 s19, $0x1;
	s22 =	sshll.u32 s1, $0x6  }
0xe: {  	s23 =	sshll.u32 s1, $0x7;
	s4 =	smul.u32 $0xC80, s1;
	s24 =	sadd.s32 s5, s22  }
0xf: {  	v0 =	vlaneseq.u32;
	s12 =	sshll.u32 s1, $0x9;
	s25 =	sadd.s32 s6, s23;
	[dreg:$0xa] =	wrdreg s24  }
0x10: {  	v0 =	vand.u32 $0x7, v0;
	s1 =	simm.s32 $0x1C0;
	s26 =	sadd.s32 s8, s22;
	[dreg:$0xb] =	wrdreg s25  }
0x11: {  	v0 =	vmul.u32 $0x2, v0;
	s21 =	ssub.s32 s19, s20;
	[dreg:$0xc] =	wrdreg s26;
	s31 =	sadd.s32 s7, s4  }
0x12: {  	s19 =	sadd.s32 $0x28, s9;
	s0 =	smax.u32 s21, $0x1;
	[dreg:$0xd] =	wrdreg s31  }
0x13: {  	vm0 =	vmmov $0xff;
	s20 =	sadd.s32 $0x34, s9;
	s8 =	simm.s32 $0x80;
	v1 =	vor.u32 $0x1, v0;
	[dreg:$0xe] =	wrdreg s0  }
.LBB2_1:
0x14: {  	[dreg:$0xf] =	wrdreg s3  }
0x15: {  	s0 =	simm.s32 $0x0;
	s2 =	rddreg [dreg:$0x9];
	s15 =	simm.s32 $0x4  }
0x16: {  	[tilespmem:s0], [sflag:$0x4] =	stream.linear.gather [hbm4b:s2+s0], $0xBB80, $0x38;
	[tilespmem:$0x139A0] =	vst v63  }
0x17: {  	_ =	swait.ge [sflag:s15], $0xBB80  }
0x18: {  	[sflag:s15] =	ssyncset.done $0x0  }
0x19: {  	s21 =	simm.s32 $0xE020;
	s16 =	rddreg [dreg:$0xa];
	[sflag:s15] =	ssyncadd.s32 $0xFFFF4480  }
0x1a: {  	[tilespmem:s21], [sflag:$0x1] =	stream.linear.gather [hbm4b:s16+s0], $0x20, $0x38;
	[tilespmem:$0x139A0] =	vst v63  }
0x1b: {  	s23 =	simm.s32 $0xF060;
	s22 =	rddreg [dreg:$0xb]  }
0x1c: {  	[tilespmem:s23], [sflag:$0x1] =	stream.linear.gather [hbm4b:s22+s0], $0x40, $0x38;
	[tilespmem:$0x139A0] =	vst v63  }
0x1d: {  	s25 =	simm.s32 $0x13160;
	s24 =	rddreg [dreg:$0xc]  }
0x1e: {  	[tilespmem:s25], [sflag:$0x1] =	stream.linear.gather [hbm4b:s24+s0], $0x20, $0x38;
	[tilespmem:$0x139A0] =	vst v63  }
0x1f: {  	s31 =	simm.s32 $0xBB80;
	s26 =	rddreg [dreg:$0xd]  }
0x20: {  	[tilespmem:s31], [sflag:$0x1] =	stream.linear.gather [hbm4b:s26+s0], $0x640, $0x38;
	[tilespmem:$0x139A0] =	vst v63  }
0x21: {  	p0 =	por $0x0, $0x0;
	s26 =	simm.s32 $0x0  }
.LBB2_2:
0x22: {  	_ =	swait.ge [sflag:s28], $0x20  }
0x23: {  	[sflag:s28] =	ssyncset.done $0x0  }
0x24: {  	[sflag:s28] =	ssyncadd.s32 $0xFFFFFFE0  }
0x25: {  	_ =	swait.ge [sflag:s28], $0x40  }
0x26: {  	[sflag:s28] =	ssyncset.done $0x0  }
0x27: {  	[sflag:s28] =	ssyncadd.s32 $0xFFFFFFC0  }
0x28: {  	_ =	swait.ge [sflag:s28], $0x20  }
0x29: {  	[sflag:s28] =	ssyncset.done $0x0  }
0x2a: {  	[sflag:s28] =	ssyncadd.s32 $0xFFFFFFE0  }
0x2b: {  	_ =	swait.ge [sflag:s28], $0x640  }
0x2c: {  	p1 =	slt.u32 s26, $0x2;
	[sflag:s28] =	ssyncset.done $0x0  }
0x2d: {  	s0 =	simm.s32 @!p1 $0x3;
	[sflag:s28] =	ssyncadd.s32 $0xFFFFF9C0  }
0x2e: {  	_ =	swait.ge @!p1 [sflag:s0], $0x800  }
0x2f: {  	[sflag:s0] =	ssyncset.done @!p1 $0x0  }
0x30: {  	[sflag:s0] =	ssyncadd.s32 @!p1 $0xFFFFF800  }
0x31: {  	_ =	swait.ge @!p1 [sflag:s0], $0x1000  }
0x32: {  	[sflag:s0] =	ssyncset.done @!p1 $0x0  }
0x33: {  	[sflag:s0] =	ssyncadd.s32 @!p1 $0xFFFFF000  }
0x34: {  	_ =	swait.ge @!p1 [sflag:s0], $0x1000  }
0x35: {  	[sflag:s0] =	ssyncset.done @!p1 $0x0  }
0x36: {  	[sflag:s0] =	ssyncadd.s32 @!p1 $0xFFFFF000  }
0x37: {  	_ =	swait.ge @!p1 [sflag:s0], $0xC00  }
0x38: {  	[sflag:s0] =	ssyncset.done @!p1 $0x0  }
0x39: {  	[sflag:s0] =	ssyncadd.s32 @!p1 $0xFFFFF400  }
0x3a: {  	_ =	swait.ge @!p1 [sflag:s0], $0x400  }
0x3b: {  	s10 =	sand.u32 $0x1, s26;
	[sflag:s0] =	ssyncset.done @!p1 $0x0  }
0x3c: {  	s5 =	sshll.u32 s10, $0x6;
	[sflag:s0] =	ssyncadd.s32 @!p1 $0xFFFFFC00  }
0x3d: {  	v2 =	vld [tilespmem:s5+$0xF060]  }
0x3e: {  	v3 =	vld [tilespmem:s5+$0xF070];
	_ =	sdelay $0x4  }
0x3f: {  	v4 =	vperm.xlane v2, v0;
	v5 =	vperm.xlane v3, v0  }
0x40: {  	v2 =	vperm.xlane v2, v1;
	v3 =	vperm.xlane v3, v1  }
0x41: {  	s16 =	sshll.u32 s10, $0x5;
	v4 =	vsel vm0, v4, v5  }
0x42: {  	v2 =	vsel vm0, v2, v3;
	[tilespmem:s16+$0xF0E0] =	vst v4  }
0x43: {  	[tilespmem:s16+$0xF120] =	vst v2  }
0x44: {  	v2 =	vld [tilespmem:s5+$0xF080]  }
0x45: {  	v3 =	vld [tilespmem:s5+$0xF090];
	_ =	sdelay $0x4  }
0x46: {  	v62 =	vperm.xlane v2, v0;
	v63 =	vperm.xlane v3, v0  }
0x47: {  	v2 =	vperm.xlane v2, v1;
	v3 =	vperm.xlane v3, v1  }
0x48: {  	v4 =	vsel vm0, v62, v63  }
0x49: {  	s6 =	sshll.u32 s10, $0xB;
	s9 =	sshll.u32 s10, $0xC;
	v2 =	vsel vm0, v2, v3;
	[tilespmem:s16+$0xF0F0] =	vst v4  }
0x4a: {  	s13 =	sor.u32 $0xE060, s6;
	s7 =	sadd.s32 $0xE020, s16;
	s2 =	rddreg [dreg:$0x8];
	[tilespmem:s16+$0xF130] =	vst v2  }
0x4b: {  	[tilespmem:s13], [sflag:$0x2] =	stream.indirect.gather [hbm4b:s2+s29], $0x40, s7, s29, $0xb8;
	[tilespmem:$0x139A0] =	vst v63  }
0x4c: {  	s14 =	sadd.s32 $0xF0E0, s16;
	s21 =	sadd.s32 $0xF160, s9;
	s3 =	rddreg [dreg:$0x5]  }
0x4d: {  	[tilespmem:s21], [sflag:$0x2] =	stream.indirect.gather [hbm4b:s3+s29], $0x80, s14, s29, $0xb8;
	[tilespmem:$0x139A0] =	vst v63  }
0x4e: {  	s25 =	sxor.u32 $0x1, s10;
	s15 =	sadd.s32 $0xF120, s16;
	s22 =	sadd.s32 $0x11160, s9  }
0x4f: {  	[tilespmem:s22], [sflag:$0x2] =	stream.indirect.gather [hbm4b:s3+s29], $0x80, s15, s29, $0xb8;
	[tilespmem:$0x139A0] =	vst v63  }
0x50: {  	s23 =	sadd.s32 $0x13160, s16;
	s0 =	sshrl.u32 s9, $0x2;
	s15 =	sadd.s32 $0x1, s26  }
0x51: {  	s31 =	sshll.u32 s25, $0x5;
	s14 =	sor.u32 $0x131A0, s0;
	s24 =	smin.u32 s15, $0xF  }
0x52: {  	[tilespmem:s14], [sflag:$0x2] =	stream.indirect.gather [hbm4b:s11+s29], $0x20, s23, s29, $0xb8;
	[tilespmem:$0x139A0] =	vst v63  }
0x53: {  	s6 =	sadd.s32 $0xE020, s31;
	s2 =	smul.u32 $0x1940, s25;
	s0 =	sshll.u32 s24, $0x5  }
0x54: {  	s5 =	rddreg [dreg:$0x0];
	s7 =	simm.s32 $0x0;
	s0 =	sor.u32 s12, s0  }
0x55: {  	s2 =	sshrl.u32 s2, $0x2;
	s24 =	rddreg [dreg:$0x1];
	s4 =	sshrl.u32 s0, $0x3  }
0x56: {  	s9 =	sshrl.u32 s0, $0x2;
	s23 =	sadd.s32 s5, s4;
	s5 =	sshll.u32 s25, $0x6  }
0x57: {  	[tilespmem:s6], [sflag:$0x1] =	stream.linear.gather [hbm4b:s23+s7], $0x20, $0x38;
	[tilespmem:$0x139A0] =	vst v63  }
0x58: {  	s25 =	rddreg [dreg:$0x3];
	s6 =	sadd.s32 $0xF060, s5;
	s23 =	sadd.s32 s24, s9  }
0x59: {  	[tilespmem:s6], [sflag:$0x1] =	stream.linear.gather [hbm4b:s23+s7], $0x40, $0x38;
	[tilespmem:$0x139A0] =	vst v63  }
0x5a: {  	s3 =	sadd.s32 $0x13160, s31;
	s0 =	smul.u32 $0x32, s0;
	s4 =	sadd.s32 s25, s4  }
0x5b: {  	[tilespmem:s3], [sflag:$0x1] =	stream.linear.gather [hbm4b:s4+s7], $0x20, $0x38;
	[tilespmem:$0x139A0] =	vst v63  }
0x5c: {  	s31 =	rddreg [dreg:$0x2];
	s0 =	sshrl.u32 s0, $0x3;
	s3 =	simm.s32 $0x1  }
0x5d: {  	s2 =	sadd.s32 $0xBB80, s2;
	s0 =	sadd.s32 s31, s0;
	s3 =	simm.s32 @!p0 $0x0  }
0x5e: {  	[tilespmem:s2], [sflag:$0x1] =	stream.linear.gather [hbm4b:s0+s7], $0x640, $0x38;
	[tilespmem:$0x139A0] =	vst v63  }
0x5f: {  	s25 =	smul.u32 $0x650, s3  }
0x60: {  	s0 =	smul.u32 $0x650, s10;
	s2 =	simm.s32 $0x0  }
.LBB2_3:
0x61: {  	s3 =	sshll.u32 s25, $0x2;
	s4 =	sand.u32 $0x3, s7  }
0x62: {  	s3 =	sand.u32 $0xFFFFFFE0, s3;
	s4 =	sshll.u32 s4, $0x3  }
0x63: {  	s3 =	sor.u32 s4, s3  }
0x64: {  	s3 =	sshrl.u32 s3, $0x2  }
0x65: {  	s3 =	sadd.s32 $0xBB80, s3  }
0x66: {  	v3 =	vmov s3;
	_ =	sdelay $0x3  }
0x67: {  	s9 =	simm.s32 $0x0  }
0x68: {  	v2 =	vld.idx.msk [tilespmem:v3+s9+$0x0 ss:$0x1], $0xffff;
	_ =	sdelay $0x4  }
0x69: {  	v2 =	vmul.u32 $0x60, v2;
	_ =	sdelay $0x1  }
0x6a: {  	v4 =	vshra.s32 v2, $0x1  }
0x6b: {  	(v2sf) =	vpush v4, $0xB  }
0x6c: {  	(v2sf) =	vpush v4, $0x0;
	_ =	sdelay $0x2  }
0x6d: {  	(v2sf) =	vpush v4, $0x1;
	_ =	sdelay $0x2  }
0x6e: {  	(v2sf) =	vpush v4, $0x2;
	_ =	sdelay $0x1  }
0x6f: {  	(v2sf) =	vpush v4, $0x3;
	_ =	sdelay $0x2  }
0x70: {  	(v2sf) =	vpush v4, $0x4;
	_ =	sdelay $0x1  }
0x71: {  	(v2sf) =	vpush v4, $0x5  }
0x72: {  	s3 =	spop (v2sf)  }
0x73: {  	v2 =	vld [tilespmem:s3+$0x20];
	s23 =	spop (v2sf)  }
0x74: {  	v6 =	vld [tilespmem:s23+$0x20]  }
0x75: {  	(v2sf) =	vpush v4, $0x6;
	v7 =	vld [tilespmem:s23+$0x10]  }
0x76: {  	v10 =	vld [tilespmem:s23+$0x0];
	s24 =	spop (v2sf)  }
0x77: {  	v8 =	vld [tilespmem:s24+$0x20]  }
0x78: {  	(v2sf) =	vpush v4, $0x7;
	v11 =	vld [tilespmem:s24+$0x10]  }
0x79: {  	s31 =	spop (v2sf);
	v9 =	vld [tilespmem:s24+$0x0]  }
0x7a: {  	v12 =	vld [tilespmem:s31+$0x20]  }
0x7b: {  	v13 =	vld [tilespmem:s31+$0x10];
	s5 =	spop (v2sf)  }
0x7c: {  	(v2sf) =	vpush v4, $0x8;
	v5 =	vld [tilespmem:s5+$0x0]  }
0x7d: {  	v14 =	vimm.bf16 $0.0e+00;
	v15 =	vld [tilespmem:s5+$0x10]  }
0x7e: {  	v17 =	vld [tilespmem:s5+$0x20];
	s6 =	spop (v2sf);
	v16 =	vadd.bf16 v6, v14  }
0x7f: {  	(v2sf) =	vpush v4, $0x9;
	v18 =	vld [tilespmem:s6+$0x20];
	v7 =	vadd.bf16 v7, v14  }
0x80: {  	s9 =	spop (v2sf);
	v6 =	vld [tilespmem:s6+$0x0];
	v8 =	vadd.bf16 v8, v16  }
0x81: {  	(v2sf) =	vpush v4, $0xA;
	v19 =	vld [tilespmem:s9+$0x10];
	v11 =	vadd.bf16 v11, v7  }
0x82: {  	v16 =	vld [tilespmem:s6+$0x10];
	v8 =	vadd.bf16 v12, v8  }
0x83: {  	v7 =	vld [tilespmem:s9+$0x0];
	v11 =	vadd.bf16 v13, v11  }
0x84: {  	v12 =	vadd.bf16 v17, v8;
	v17 =	vld [tilespmem:s9+$0x20];
	s23 =	spop (v2sf)  }
0x85: {  	v11 =	vadd.bf16 v15, v11;
	(v2sf) =	vpush v4, $0xC;
	v8 =	vld [tilespmem:s23+$0x0]  }
0x86: {  	v15 =	vadd.bf16 v18, v12;
	v12 =	vld [tilespmem:s23+$0x10]  }
0x87: {  	s24 =	smul.u32 $0x32, s2;
	v16 =	vadd.bf16 v16, v11;
	v13 =	vld [tilespmem:s23+$0x20];
	s23 =	spop (v2sf)  }
0x88: {  	v11 =	vadd.bf16 v10, v14;
	(v2sf) =	vpush v4, $0xD;
	v10 =	vld [tilespmem:s23+$0x0]  }
0x89: {  	s4 =	sand.u32 $0x6, s24;
	s6 =	sadd.s32 s0, s24;
	s24 =	simm.s32 $0x40;
	v16 =	vadd.bf16 v19, v16;
	v15 =	vadd.bf16 v17, v15;
	v14 =	vld [tilespmem:s23+$0x10]  }
.LBB2_4:
0x8a: {  	s5 =	sshra.s32 s24, $0x2;
	p1 =	sne.s32 s24, $0x80;
	s24 =	sadd.s32 $0x40, s24;
	v17 =	vld [tilespmem:s23+$0x20]  }
0x8b: {  	v18 =	vld.idx.msk [tilespmem:v3+s5+$0x0 ss:$0x1], $0xffff;
	v12 =	vadd.bf16 v12, v16;
	s5 =	spop (v2sf);
	(v2sf) =	vpush v4, $0xE  }
0x8c: {  	v13 =	vadd.bf16 v13, v15;
	v15 =	vld [tilespmem:s5+$0x0]  }
0x8d: {  	v16 =	vld [tilespmem:s5+$0x10];
	(v2sf) =	vpush v4, $0xF  }
0x8e: {  	v4 =	vadd.bf16 v14, v12;
	v12 =	vld [tilespmem:s5+$0x20];
	s5 =	spop (v2sf)  }
0x8f: {  	v14 =	vld [tilespmem:s5+$0x0]  }
0x90: {  	v19 =	vld [tilespmem:s5+$0x20];
	s23 =	spop (v2sf)  }
0x91: {  	v13 =	vadd.bf16 v17, v13;
	v18 =	vmul.u32 $0x60, v18;
	v17 =	vld [tilespmem:s23+$0x20]  }
0x92: {  	v16 =	vadd.bf16 v16, v4;
	v20 =	vld [tilespmem:s5+$0x10]  }
0x93: {  	v4 =	vshra.s32 v18, $0x1;
	v12 =	vadd.bf16 v12, v13;
	v13 =	vld [tilespmem:s3+$0x0]  }
0x94: {  	(v2sf) =	vpush v4, $0xB;
	v18 =	vld [tilespmem:s23+$0x10];
	s5 =	spop (v2sf)  }
0x95: {  	(v2sf) =	vpush v4, $0x0;
	v12 =	vadd.bf16 v19, v12;
	v19 =	vld [tilespmem:s5+$0x20]  }
0x96: {  	v21 =	vld [tilespmem:s3+$0x10]  }
0x97: {  	v22 =	vld [tilespmem:s31+$0x0];
	v16 =	vadd.bf16 v20, v16;
	v12 =	vadd.bf16 v17, v12;
	s3 =	spop (v2sf)  }
0x98: {  	(v2sf) =	vpush v4, $0x1;
	v17 =	vld [tilespmem:s5+$0x10]  }
0x99: {  	v16 =	vadd.bf16 v18, v16;
	v2 =	vadd.bf16 v2, v12;
	v12 =	vld [tilespmem:s3+$0x20]  }
0x9a: {  	v9 =	vadd.bf16 v9, v11;
	(v2sf) =	vpush v4, $0x2;
	v11 =	vld [tilespmem:s3+$0x10];
	s31 =	spop (v2sf)  }
0x9b: {  	v16 =	vadd.bf16 v21, v16;
	v2 =	vadd.bf16 v19, v2;
	v18 =	vld [tilespmem:s31+$0x20]  }
0x9c: {  	v9 =	vadd.bf16 v22, v9;
	v19 =	vld [tilespmem:s31+$0x10];
	s9 =	spop (v2sf)  }
0x9d: {  	(v2sf) =	vpush v4, $0x3;
	v16 =	vadd.bf16 v17, v16;
	v17 =	vld [tilespmem:s9+$0x20]  }
0x9e: {  	v5 =	vadd.bf16 v5, v9;
	v2 =	vadd.bf16 v12, v2;
	v20 =	vld [tilespmem:s9+$0x0]  }
0x9f: {  	v9 =	vadd.bf16 v11, v16;
	v11 =	vld [tilespmem:s9+$0x10]  }
0xa0: {  	(v2sf) =	vpush v4, $0x4;
	v12 =	vld [tilespmem:s31+$0x0];
	v2 =	vadd.bf16 v18, v2  }
0xa1: {  	v5 =	vadd.bf16 v6, v5;
	v16 =	vld [tilespmem:s3+$0x0];
	v6 =	vadd.bf16 v19, v9  }
0xa2: {  	v18 =	vld [tilespmem:s5+$0x0];
	v9 =	vadd.bf16 v17, v2  }
0xa3: {  	v5 =	vadd.bf16 v7, v5;
	(v2sf) =	vpush v4, $0x5;
	s3 =	spop (v2sf);
	v7 =	vld [tilespmem:s23+$0x0]  }
0xa4: {  	v2 =	vld [tilespmem:s3+$0x20];
	s5 =	spop (v2sf);
	v6 =	vadd.bf16 v11, v6  }
0xa5: {  	v5 =	vadd.bf16 v8, v5;
	v11 =	vld [tilespmem:s5+$0x20]  }
0xa6: {  	v8 =	vld [tilespmem:s5+$0x10];
	(v2sf) =	vpush v4, $0x6  }
0xa7: {  	v5 =	vadd.bf16 v10, v5;
	v17 =	vld [tilespmem:s5+$0x0];
	s5 =	spop (v2sf)  }
0xa8: {  	v10 =	vld [tilespmem:s5+$0x20]  }
0xa9: {  	v5 =	vadd.bf16 v15, v5;
	v19 =	vld [tilespmem:s5+$0x10];
	s31 =	spop (v2sf);
	(v2sf) =	vpush v4, $0x7  }
0xaa: {  	v15 =	vld [tilespmem:s31+$0x20]  }
0xab: {  	v14 =	vadd.bf16 v14, v5;
	v6 =	vadd.bf16 v8, v6;
	v8 =	vld [tilespmem:s31+$0x10]  }
0xac: {  	v11 =	vadd.bf16 v11, v9;
	v9 =	vld [tilespmem:s5+$0x0];
	s5 =	spop (v2sf)  }
0xad: {  	v7 =	vadd.bf16 v7, v14;
	v5 =	vld [tilespmem:s5+$0x0];
	(v2sf) =	vpush v4, $0x8  }
0xae: {  	v10 =	vadd.bf16 v10, v11;
	v6 =	vadd.bf16 v19, v6;
	v11 =	vld [tilespmem:s5+$0x10]  }
0xaf: {  	v7 =	vadd.bf16 v13, v7;
	v14 =	vld [tilespmem:s5+$0x20];
	s5 =	spop (v2sf)  }
0xb0: {  	v8 =	vadd.bf16 v8, v6;
	v6 =	vld [tilespmem:s5+$0x0];
	(v2sf) =	vpush v4, $0x9  }
0xb1: {  	v10 =	vadd.bf16 v15, v10;
	v15 =	vadd.bf16 v18, v7;
	v13 =	vld [tilespmem:s5+$0x10]  }
0xb2: {  	v18 =	vld [tilespmem:s5+$0x20];
	s5 =	spop (v2sf);
	(v2sf) =	vpush v4, $0xA  }
0xb3: {  	v11 =	vadd.bf16 v11, v8;
	v7 =	vld [tilespmem:s5+$0x0];
	v8 =	vadd.bf16 v16, v15  }
0xb4: {  	v15 =	vld [tilespmem:s5+$0x10]  }
0xb5: {  	v10 =	vadd.bf16 v14, v10;
	v14 =	vld [tilespmem:s5+$0x20];
	s5 =	spop (v2sf);
	v16 =	vadd.bf16 v12, v8  }
.Ltmp0:
0xb6: {  	v8 =	vld [tilespmem:s5+$0x0];
	(v2sf) =	vpush v4, $0xC;
	(pc) =	sbr.rel @p1 .LBB2_4-.Ltmp0, $4  }
0xb7: {  	v18 =	vadd.bf16 v18, v10;
	v12 =	vld [tilespmem:s5+$0x10];
	v10 =	vadd.bf16 v20, v16  }
0xb8: {  	v16 =	vadd.bf16 v13, v11;
	v13 =	vld [tilespmem:s5+$0x20];
	s23 =	spop (v2sf)  }
0xb9: {  	v11 =	vadd.bf16 v17, v10;
	v10 =	vld [tilespmem:s23+$0x0];
	(v2sf) =	vpush v4, $0xD  }
0xba: {  	v16 =	vadd.bf16 v15, v16;
	v15 =	vadd.bf16 v14, v18;
	v14 =	vld [tilespmem:s23+$0x10]  }
0xbb: {  	v3 =	vld [tilespmem:s31+$0x0];
	s5 =	sand.u32 $0xFF8, s6  }
0xbc: {  	v17 =	vld [tilespmem:s23+$0x20];
	s4 =	sor.u32 s4, s5  }
0xbd: {  	v29 =	vld [tilespmem:s4+$0xBBB0]  }
0xbe: {  	v9 =	vadd.bf16 v9, v11;
	v35 =	vld [tilespmem:s3+$0x0]  }
0xbf: {  	v38 =	vld [tilespmem:s3+$0x10];
	s9 =	spop (v2sf);
	(v2sf) =	vpush v4, $0xE  }
0xc0: {  	v18 =	vld [tilespmem:s9+$0x0];
	v3 =	vadd.bf16 v3, v9  }
0xc1: {  	v30 =	vld [tilespmem:s9+$0x10]  }
0xc2: {  	v19 =	vld [tilespmem:s9+$0x20];
	s23 =	spop (v2sf);
	(v2sf) =	vpush v4, $0xF;
	v3 =	vadd.bf16 v5, v3;
	v33 =	vmul.u32 $0x60, v29  }
0xc3: {  	v31 =	vld [tilespmem:s23+$0x0]  }
0xc4: {  	v32 =	vld [tilespmem:s23+$0x20];
	v3 =	vadd.bf16 v6, v3;
	v6 =	vshra.s32 v33, $0x1  }
0xc5: {  	v20 =	vld [tilespmem:s23+$0x10];
	s24 =	spop (v2sf);
	(v2sf) =	vpush v6, $0x0  }
0xc6: {  	v34 =	vld [tilespmem:s24+$0x20];
	v3 =	vadd.bf16 v7, v3  }
0xc7: {  	v12 =	vadd.bf16 v12, v16;
	v36 =	vld [tilespmem:s24+$0x10]  }
0xc8: {  	v40 =	vld [tilespmem:s24+$0x0];
	s31 =	spop (v2sf);
	(v2sf) =	vpush v6, $0x1;
	v3 =	vadd.bf16 v8, v3  }
0xc9: {  	v12 =	vadd.bf16 v14, v12;
	v37 =	vld [tilespmem:s31+$0x20]  }
0xca: {  	v39 =	vadd.bf16 v13, v15;
	v41 =	vld [tilespmem:s31+$0x10];
	v3 =	vadd.bf16 v10, v3  }
0xcb: {  	v9 =	vadd.bf16 v30, v12;
	v45 =	vld [tilespmem:s31+$0x0];
	s5 =	spop (v2sf)  }
0xcc: {  	v42 =	vld [tilespmem:s5+$0x20];
	v10 =	vadd.bf16 v17, v39;
	v3 =	vadd.bf16 v18, v3  }
0xcd: {  	v9 =	vadd.bf16 v20, v9;
	v43 =	vld [tilespmem:s5+$0x10]  }
0xce: {  	v47 =	vld [tilespmem:s5+$0x0];
	s6 =	spop (v2sf);
	v44 =	vadd.bf16 v19, v10;
	v3 =	vadd.bf16 v31, v3  }
0xcf: {  	v8 =	vadd.bf16 v36, v9;
	v46 =	vld [tilespmem:s6+$0x20]  }
0xd0: {  	v48 =	vld [tilespmem:s6+$0x10];
	v4 =	vadd.bf16 v32, v44;
	v3 =	vadd.bf16 v40, v3  }
0xd1: {  	v8 =	vadd.bf16 v38, v8;
	v49 =	vld [tilespmem:s6+$0x0];
	s9 =	spop (v2sf)  }
0xd2: {  	v50 =	vld [tilespmem:s9+$0x20];
	v4 =	vadd.bf16 v34, v4;
	v3 =	vadd.bf16 v35, v3  }
0xd3: {  	v8 =	vadd.bf16 v41, v8;
	v51 =	vld [tilespmem:s9+$0x0]  }
0xd4: {  	v52 =	vld [tilespmem:s9+$0x10];
	v2 =	vadd.bf16 v2, v4;
	v3 =	vadd.bf16 v45, v3;
	s23 =	spop (v2sf)  }
0xd5: {  	v54 =	vadd.bf16 v43, v8;
	v53 =	vld [tilespmem:s23+$0x0]  }
0xd6: {  	v2 =	vadd.bf16 v37, v2;
	v55 =	vld [tilespmem:s23+$0x10];
	v3 =	vadd.bf16 v47, v3  }
0xd7: {  	v6 =	vadd.bf16 v48, v54;
	s24 =	spop (v2sf);
	v57 =	vld [tilespmem:s23+$0x20]  }
0xd8: {  	v2 =	vadd.bf16 v42, v2;
	v58 =	vld [tilespmem:s24+$0x10];
	v3 =	vadd.bf16 v49, v3  }
0xd9: {  	v6 =	vadd.bf16 v52, v6;
	v56 =	vld [tilespmem:s24+$0x0]  }
0xda: {  	v2 =	vadd.bf16 v46, v2;
	v3 =	vadd.bf16 v51, v3  }
0xdb: {  	v59 =	vld [tilespmem:s24+$0x20];
	v6 =	vadd.bf16 v55, v6  }
0xdc: {  	v2 =	vadd.bf16 v50, v2;
	v3 =	vadd.bf16 v53, v3  }
0xdd: {  	v60 =	vadd.bf16 v58, v6  }
0xde: {  	s31 =	sadd.s32 s16, s2;
	v2 =	vadd.bf16 v57, v2;
	v3 =	vadd.bf16 v56, v3  }
0xdf: {  	s3 =	smul.u32 $0x180, s31;
	v62 =	vunpack.i.l.bf16.f32 v60  }
0xe0: {  	v2 =	vadd.bf16 v59, v2;
	v5 =	vmul.f32 $1.999999960e-02, v62;
	v61 =	vunpack.i.l.bf16.f32 v3  }
0xe1: {  	s2 =	sadd.s32 $0x1, s2;
	s3 =	sshra.s32 s3, $0x2;
	v3 =	vunpack.i.u.bf16.f32 v3;
	v6 =	vmul.f32 $1.999999960e-02, v61  }
0xe2: {  	p1 =	sne.s32 s2, $0x20;
	v63 =	vunpack.i.l.bf16.f32 v2;
	v2 =	vunpack.i.u.bf16.f32 v2;
	v3 =	vmul.f32 $1.999999960e-02, v3;
	[tilespmem:s3+$0xC840] =	vst v5  }
.Ltmp1:
0xe3: {  	v4 =	vunpack.i.u.bf16.f32 v60;
	v2 =	vmul.f32 $1.999999960e-02, v2;
	[tilespmem:s3+$0xC820] =	vst v6;
	(pc) =	sbr.rel @p1 .LBB2_3-.Ltmp1, $4  }
0xe4: {  	[tilespmem:s3+$0xC830] =	vst v3;
	v3 =	vmul.f32 $1.999999960e-02, v4  }
0xe5: {  	v4 =	vmul.f32 $1.999999960e-02, v63;
	[tilespmem:s3+$0xC870] =	vst v2  }
0xe6: {  	[tilespmem:s3+$0xC850] =	vst v3  }
0xe7: {  	s25 =	sadd.s32 $0x32, s25;
	s7 =	sadd.s32 $0x1, s7;
	[tilespmem:s3+$0xC860] =	vst v4  }
0xe8: {  	_ =	swait.ge [sflag:s30], $0x800  }
0xe9: {  	[sflag:s30] =	ssyncset.done $0x0  }
0xea: {  	[sflag:s30] =	ssyncadd.s32 $0xFFFFF800  }
0xeb: {  	_ =	swait.ge [sflag:s30], $0x1000  }
0xec: {  	[sflag:s30] =	ssyncset.done $0x0  }
0xed: {  	[sflag:s30] =	ssyncadd.s32 $0xFFFFF000  }
0xee: {  	_ =	swait.ge [sflag:s30], $0x1000  }
0xef: {  	[sflag:s30] =	ssyncset.done $0x0  }
0xf0: {  	[sflag:s30] =	ssyncadd.s32 $0xFFFFF000  }
0xf1: {  	s0 =	sshll.u32 s26, $0x5;
	_ =	swait.ge [sflag:s30], $0x400  }
0xf2: {  	s0 =	sadd.s32 s12, s0;
	[sflag:s30] =	ssyncset.done $0x0  }
0xf3: {  	s0 =	smul.u32 $0x38, s0;
	[sflag:s30] =	ssyncadd.s32 $0xFFFFFC00  }
0xf4: {  	s2 =	rddreg [dreg:$0x6]  }
0xf5: {  	s3 =	simm.s32 $0x40;
	s2 =	sadd.s32 s2, s0  }
0xf6: {  	[hbm4b:s2+s3] =	stream.strided.scatter [tilespmem:s13], [sflag:$0x3], $0x800, s1, s3, $0x38;
	[tilespmem:$0x139A0] =	vst v63  }
0xf7: {  	s23 =	sadd.s32 s0, s17  }
0xf8: {  	[hbm4b:s23+s8] =	stream.strided.scatter [tilespmem:s21], [sflag:$0x3], $0x1000, s1, s8, $0x38;
	[tilespmem:$0x139A0] =	vst v63  }
0xf9: {  	s25 =	smul.u32 $0x3000, s10;
	p1 =	sne.s32 s15, $0x10;
	s24 =	sadd.s32 s0, s18  }
0xfa: {  	[hbm4b:s24+s8] =	stream.strided.scatter [tilespmem:s22], [sflag:$0x3], $0x1000, s1, s8, $0x38;
	[tilespmem:$0x139A0] =	vst v63  }
.Ltmp2:
0xfb: {  	s26 =	sshrl.u32 s25, $0x2;
	(pc) =	sbr.rel @p1 .LBB2_2-.Ltmp2, $4  }
0xfc: {  	s4 =	simm.s32 $0x60;
	s31 =	sadd.s32 s0, s19;
	s2 =	sadd.s32 $0xC820, s26  }
0xfd: {  	[hbm4b:s31+s4] =	stream.strided.scatter [tilespmem:s2], [sflag:$0x3], $0xC00, s1, s4, $0x38;
	[tilespmem:$0x139A0] =	vst v63  }
0xfe: {  	p0 =	por !p0, !p0;
	s0 =	sadd.s32 s0, s20;
	s26 =	smov.u32 s15  }
0xff: {  	[hbm4b:s0+s29] =	stream.strided.scatter [tilespmem:s14], [sflag:$0x3], $0x400, s1, s29, $0x38;
	[tilespmem:$0x139A0] =	vst v63  }
0x100: {  	_ =	swait.ge [sflag:s28], $0x20  }
0x101: {  	[sflag:s28] =	ssyncset.done $0x0  }
0x102: {  	[sflag:s28] =	ssyncadd.s32 $0xFFFFFFE0  }
0x103: {  	_ =	swait.ge [sflag:s28], $0x40  }
0x104: {  	[sflag:s28] =	ssyncset.done $0x0  }
0x105: {  	[sflag:s28] =	ssyncadd.s32 $0xFFFFFFC0  }
0x106: {  	_ =	swait.ge [sflag:s28], $0x20  }
0x107: {  	[sflag:s28] =	ssyncset.done $0x0  }
0x108: {  	[sflag:s28] =	ssyncadd.s32 $0xFFFFFFE0  }
0x109: {  	_ =	swait.ge [sflag:s28], $0x640  }
0x10a: {  	[sflag:s28] =	ssyncset.done $0x0  }
0x10b: {  	s2 =	simm.s32 $0x3;
	[sflag:s28] =	ssyncadd.s32 $0xFFFFF9C0  }
0x10c: {  	_ =	swait.ge [sflag:s2], $0x800  }
0x10d: {  	[sflag:s2] =	ssyncset.done $0x0  }
0x10e: {  	[sflag:s2] =	ssyncadd.s32 $0xFFFFF800  }
0x10f: {  	_ =	swait.ge [sflag:s2], $0x1000  }
0x110: {  	[sflag:s2] =	ssyncset.done $0x0  }
0x111: {  	[sflag:s2] =	ssyncadd.s32 $0xFFFFF000  }
0x112: {  	_ =	swait.ge [sflag:s2], $0x1000  }
0x113: {  	[sflag:s2] =	ssyncset.done $0x0  }
0x114: {  	[sflag:s2] =	ssyncadd.s32 $0xFFFFF000  }
0x115: {  	_ =	swait.ge [sflag:s2], $0xC00  }
0x116: {  	[sflag:s2] =	ssyncset.done $0x0  }
0x117: {  	[sflag:s2] =	ssyncadd.s32 $0xFFFFF400  }
0x118: {  	_ =	swait.ge [sflag:s2], $0x400  }
0x119: {  	[sflag:s2] =	ssyncset.done $0x0  }
0x11a: {  	[sflag:s2] =	ssyncadd.s32 $0xFFFFFC00  }
0x11b: {  	_ =	swait.ge [sflag:s2], $0x800  }
0x11c: {  	[sflag:s2] =	ssyncset.done $0x0  }
0x11d: {  	[sflag:s2] =	ssyncadd.s32 $0xFFFFF800  }
0x11e: {  	_ =	swait.ge [sflag:s2], $0x1000  }
0x11f: {  	[sflag:s2] =	ssyncset.done $0x0  }
0x120: {  	[sflag:s2] =	ssyncadd.s32 $0xFFFFF000  }
0x121: {  	_ =	swait.ge [sflag:s2], $0x1000  }
0x122: {  	[sflag:s2] =	ssyncset.done $0x0  }
0x123: {  	[sflag:s2] =	ssyncadd.s32 $0xFFFFF000  }
0x124: {  	_ =	swait.ge [sflag:s2], $0xC00  }
0x125: {  	[sflag:s2] =	ssyncset.done $0x0  }
0x126: {  	[sflag:s2] =	ssyncadd.s32 $0xFFFFF400  }
0x127: {  	_ =	swait.ge [sflag:s2], $0x400  }
0x128: {  	s3 =	rddreg [dreg:$0xf]  }
0x129: {  	s0 =	rddreg [dreg:$0xe];
	s3 =	sadd.s32 $0x1, s3  }
0x12a: {  	p0 =	sne.s32 s3, s0  }
.Ltmp3:
0x12b: {  	_ = 	snop;
	(pc) =	sbr.rel @p0 .LBB2_1-.Ltmp3, $3  }
0x12c: {  	_ =	sdelay $0x1  }
0x12d: {  	[sflag:s2] =	ssyncset.done $0x0  }
0x12e: {  	[sflag:s2] =	ssyncadd.s32 $0xFFFFFC00  }
0x12f: {  	_ =	sfence.sel $0x180000  }
0x130: {  	[bflag:$0x0] =	sbarrier.arrive $0xFFFF  }
0x131: {  	_ =	strace $0x90000047  }
0x132: {  	s0 =	stileid.u32;
	[bflag:$0x2] =	sbarrier.arrive $0xFFFF  }
0x133: {  	p0 =	sne.s32 s0, $0x0;
	s0 =	rddreg [dreg:$0x7]  }
0x134: {  	s0 =	sadd.s32 @!p0 $0x100000, s0  }
0x135: {  	[sflag:s0] =	ssyncadd.tile.s32 @!p0 $0x1;
	_ =	shalt  }
.Lfunc_end2:
_tile_overlayer_lowered:
.L_overlay_start_2:
0x136: {  	(tag) =	ssettag $0x2  }
0x137: {  	s0 =	rddreg [dreg:$0x0];
	s2 =	stileid.u32  }
0x138: {  	s1 =	rddreg [dreg:$0x1];
	p0 =	sne.s32 s2, $0x0  }
0x139: {  	s3 =	rddreg [dreg:$0x2];
	[bflag:$0x3] =	sbarrier.arrive $0xFFFF;
	s2 =	simm.s32 @!p0 $0x1C04  }
0x13a: {  	[timem:s3], [sflag:s2] =	dma.local @!p0 [hbm:s0], s1  }
0x13b: {  	s0 =	simm.s32 @!p0 $0x4  }
0x13c: {  	_ =	swait.ge @!p0 [sflag:s0], s1  }
0x13d: {  	s1 =	ssub.s32 @!p0 $0x0, s1;
	[sflag:s0] =	ssyncset.done @!p0 $0x0  }
0x13e: {  	[sflag:s0] =	ssyncadd.s32 @!p0 s1  }
0x13f: {  	[bflag:$0x3] =	sbarrier.arrive $0xFFFF  }
0x140: {  	_ =	shalt  }

</sc_bundles>
